<compile_context>
chip_gen: v7x
topology: tpu7x:2x2x1
jax: 0.10.2.dev20260603
libtpu: 0.0.44.dev20260713+nightly
codegen_flags: <defaults>
</compile_context>

<pallas_src>
import functools

import jax
import jax.numpy as jnp
from jax import lax
from jax.experimental import pallas as pl
from jax.experimental.pallas import tpu as pltpu
from jax.experimental.pallas import tpu_sc as plsc

WORD_DIM = 300
POS_DIM = 50
OUT_DIM = WORD_DIM + POS_DIM
WPAD = 384
TILE = 128
PSHIFT = WORD_DIM - 2 * TILE
NUM_CORES = 2
NUM_SUBCORES = 16
NUM_WORKERS = NUM_CORES * NUM_SUBCORES
CHUNK = 128
NTAG_PAD = 56


def kernel(tokens, tags, word_table, pos_table):
    B, L = tokens.shape
    N = B * L
    n_per_w = N // NUM_WORKERS
    n_chunks = n_per_w // CHUNK

    tok = tokens.reshape(N).astype(jnp.int32)
    tag = tags.reshape(N).astype(jnp.int32)
    wt2 = jnp.pad(word_table[:, 2 * TILE:], ((0, 0), (0, WPAD - WORD_DIM)))
    ppad = jnp.pad(pos_table,
                   ((0, NTAG_PAD - pos_table.shape[0]),
                    (PSHIFT, TILE - POS_DIM - PSHIFT)))

    mesh = plsc.VectorSubcoreMesh(core_axis_name="c", subcore_axis_name="s")

    @functools.partial(
        pl.kernel,
        mesh=mesh,
        compiler_params=pltpu.CompilerParams(needs_layout_passes=False),
        out_type=jax.ShapeDtypeStruct((N, WPAD), jnp.float32),
        scratch_types=[
            pltpu.VMEM((CHUNK,), jnp.int32),
            pltpu.VMEM((CHUNK,), jnp.int32),
            pltpu.VMEM((CHUNK, TILE), jnp.float32),
            pltpu.VMEM((CHUNK, TILE), jnp.float32),
            pltpu.VMEM((CHUNK, TILE), jnp.float32),
            pltpu.VMEM((NTAG_PAD, TILE), jnp.float32),
            pltpu.SemaphoreType.DMA,
            pltpu.SemaphoreType.DMA,
            pltpu.SemaphoreType.DMA,
            pltpu.SemaphoreType.DMA,
        ],
    )
    def gather_sc(tok_hbm, tag_hbm, word_hbm, w2_hbm, pos_hbm, out_hbm,
                  tok_v, tag_v, v0, v1, v2, ptab, s0, s1, s2, so):
        wid = lax.axis_index("s") * NUM_CORES + lax.axis_index("c")
        wbase = wid * n_per_w
        w0_hbm = word_hbm.at[:, pl.ds(0, TILE)]
        w1_hbm = word_hbm.at[:, pl.ds(TILE, TILE)]

        pltpu.sync_copy(pos_hbm, ptab)
        cols = [lax.iota(jnp.int32, 16) + 16 * k for k in range(2, 6)]

        @pl.loop(0, n_chunks)
        def _(i):
            base = wbase + i * CHUNK
            pltpu.sync_copy(tok_hbm.at[pl.ds(base, CHUNK)], tok_v)
            pltpu.sync_copy(tag_hbm.at[pl.ds(base, CHUNK)], tag_v)
            c0 = pltpu.async_copy(w0_hbm.at[tok_v], v0, s0)
            c1 = pltpu.async_copy(w1_hbm.at[tok_v], v1, s1)
            c2 = pltpu.async_copy(w2_hbm.at[tok_v], v2, s2)
            rows = out_hbm.at[pl.ds(base, CHUNK)]
            c0.wait()
            c1.wait()
            o0 = pltpu.async_copy(v0, rows.at[:, pl.ds(0, TILE)], so)
            o1 = pltpu.async_copy(v1, rows.at[:, pl.ds(TILE, TILE)], so)
            c2.wait()

            @pl.loop(0, CHUNK)
            def _(r):
                t16 = plsc.load_gather(tag_v, [jnp.zeros((16,), jnp.int32) + r])
                for k in range(4):
                    prow = plsc.load_gather(ptab, [t16, cols[k]])
                    c = 32 + 16 * k
                    v2[r, pl.ds(c, 16)] = v2[r, pl.ds(c, 16)] + prow

            o2 = pltpu.async_copy(v2, rows.at[:, pl.ds(2 * TILE, TILE)], so)
            o0.wait()
            o1.wait()
            o2.wait()

    out = gather_sc(tok, tag, word_table, wt2, ppad)
    return out[:, :OUT_DIM].reshape(B, L, OUT_DIM)

# --- scband reference (transcript-rebuilt; emitter-appended) ---
"""Pipeline reference for scband-feature-extraction-module-34041910788845 (READ-ONLY COPY).

The authoritative reference and input builder live on the scoring server;
editing this copy changes nothing except your own understanding.
"""

import jax, jax.numpy as jnp
import numpy as np

VOCAB = 100000
ADD_UNK = True
WORD_DIM = 300
N_TAGS = 50
POS_DIM = 50
WORD_PAD = 0
POS_PAD = 0
B, L = 4096, 50


def setup_inputs(seed: int = 0) -> dict:
    key = jax.random.key(seed)
    k1, k2, k3, k4 = jax.random.split(key, 4)
    tokens = jax.random.randint(k1, (B, L), 0, VOCAB, dtype=jnp.int64 if jax.config.jax_enable_x64 else jnp.int32)
    tags = jax.random.randint(k2, (B, L), 0, N_TAGS + 1, dtype=jnp.int64 if jax.config.jax_enable_x64 else jnp.int32)
    n_word_rows = VOCAB + (1 if ADD_UNK else 0)
    # FastText table: pretrained vectors (simulated with randn), UNK row zeroed, padding row zeroed
    word_table = jax.random.normal(k3, (n_word_rows, WORD_DIM), dtype=jnp.float32)
    if ADD_UNK:
        word_table = word_table.at[-1, :].set(0.0)
    word_table = word_table.at[WORD_PAD, :].set(0.0)
    # POS table: uniform(-0.01, 0.01), padding row zeroed
    pos_table = jax.random.uniform(k4, (N_TAGS + 1, POS_DIM), minval=-0.01, maxval=0.01, dtype=jnp.float32)
    pos_table = pos_table.at[POS_PAD, :].set(0.0)
    return {"tokens": tokens, "tags": tags, "word_table": word_table, "pos_table": pos_table}


def reference(tokens, tags, word_table, pos_table):
    # word embedding lookup (gather)
    word_repr = jnp.take(word_table, tokens, axis=0)  # [B, L, 300]
    # pos embedding lookup (gather)
    pos_repr = jnp.take(pos_table, tags, axis=0)      # [B, L, 50]
    # concat along feature dim
    token_repr = jnp.concatenate([word_repr, pos_repr], axis=2)  # [B, L, 350]
    return token_repr

if __name__ == "__main__":
    import jax
    _d = setup_inputs()
    print(jax.jit(kernel)(*tuple(_d.values())))

</pallas_src>

<mosaic_0001>
#map = affine_map<(d0, d1) -> (0)>
#map1 = affine_map<(d0, d1) -> (0, 0)>
module attributes {stable_mosaic.version = 14 : i64} {
  func.func @gather_sc(%arg0: i32, %arg1: i32, %arg2: memref<204800xi32, #tpu.memory_space<hbm>>, %arg3: memref<204800xi32, #tpu.memory_space<hbm>>, %arg4: memref<100001x300xf32, #tpu.memory_space<hbm>>, %arg5: memref<100001x128xf32, #tpu.memory_space<hbm>>, %arg6: memref<56x128xf32, #tpu.memory_space<hbm>>, %arg7: memref<204800x384xf32, #tpu.memory_space<hbm>>, %arg8: memref<128xi32, #tpu.memory_space<vmem>>, %arg9: memref<128xi32, #tpu.memory_space<vmem>>, %arg10: memref<128x128xf32, #tpu.memory_space<vmem>>, %arg11: memref<128x128xf32, #tpu.memory_space<vmem>>, %arg12: memref<128x128xf32, #tpu.memory_space<vmem>>, %arg13: memref<56x128xf32, #tpu.memory_space<vmem>>, %arg14: memref<!tpu.dma_semaphore, #tpu.memory_space<semaphore_mem>>, %arg15: memref<!tpu.dma_semaphore, #tpu.memory_space<semaphore_mem>>, %arg16: memref<!tpu.dma_semaphore, #tpu.memory_space<semaphore_mem>>, %arg17: memref<!tpu.dma_semaphore, #tpu.memory_space<semaphore_mem>>) attributes {dimension_semantics = [#tpu.dimension_semantics<core_parallel>, #tpu.dimension_semantics<subcore_parallel>], iteration_bounds = array<i64: 2, 16>, scalar_prefetch = 0 : i64, scratch_operands = 10 : i64, tpu.core_type = #tpu.core_type<sc_vector_subcore>, window_params = [{transform_indices = #map}, {transform_indices = #map}, {transform_indices = #map1}, {transform_indices = #map1}, {transform_indices = #map1}, {transform_indices = #map1}]} {
    %mul3A = arith.constant 2 : i32
    %mul3A_0 = arith.muli %arg1, %mul3A : i32
    %add3A = arith.addi %mul3A_0, %arg0 : i32
    %mul3A_1 = arith.constant 6400 : i32
    %mul3A_2 = arith.muli %add3A, %mul3A_1 : i32
    "tpu.region"() ({
      %run_scoped3A = tpu.sem_alloc : memref<!tpu.dma_semaphore, #tpu.memory_space<semaphore_mem>>
      tpu.enqueue_dma source(%arg6 : memref<56x128xf32, #tpu.memory_space<hbm>>) target(%arg13 : memref<56x128xf32, #tpu.memory_space<vmem>>) target_semaphore(%run_scoped3A : memref<!tpu.dma_semaphore, #tpu.memory_space<semaphore_mem>>)
      tpu.wait_dma2 semaphore(%run_scoped3A : memref<!tpu.dma_semaphore, #tpu.memory_space<semaphore_mem>>) src(%arg6 : memref<56x128xf32, #tpu.memory_space<hbm>>) dst(%arg13 : memref<56x128xf32, #tpu.memory_space<vmem>>)
      tpu.yield
    }) : () -> ()
    %iota3A = tpu.iota {dimensions = array<i32: 0>} : vector<16xi32>
    %add3A_3 = arith.constant 32 : i32
    %add3A_4 = vector.broadcast %add3A_3 : i32 to vector<16xi32>
    %add3A_5 = arith.addi %iota3A, %add3A_4 : vector<16xi32>
    %iota3A_6 = tpu.iota {dimensions = array<i32: 0>} : vector<16xi32>
    %add3A_7 = arith.constant 48 : i32
    %add3A_8 = vector.broadcast %add3A_7 : i32 to vector<16xi32>
    %add3A_9 = arith.addi %iota3A_6, %add3A_8 : vector<16xi32>
    %iota3A_10 = tpu.iota {dimensions = array<i32: 0>} : vector<16xi32>
    %add3A_11 = arith.constant 64 : i32
    %add3A_12 = vector.broadcast %add3A_11 : i32 to vector<16xi32>
    %add3A_13 = arith.addi %iota3A_10, %add3A_12 : vector<16xi32>
    %iota3A_14 = tpu.iota {dimensions = array<i32: 0>} : vector<16xi32>
    %add3A_15 = arith.constant 80 : i32
    %add3A_16 = vector.broadcast %add3A_15 : i32 to vector<16xi32>
    %add3A_17 = arith.addi %iota3A_14, %add3A_16 : vector<16xi32>
    %scan3A = arith.constant 0 : i32
    %scan3A_18 = arith.constant 50 : i32
    %scan3A_19 = arith.addi %scan3A, %scan3A_18 : i32
    %scan3A_20 = arith.constant 1 : i32
    scf.for %scan3A_22 = %scan3A to %scan3A_19 step %scan3A_20  : i32 {
      %mul3A_23 = arith.constant 1 : i32
      %mul3A_24 = arith.muli %scan3A_22, %mul3A_23 : i32
      %add3A_25 = arith.constant 0 : i32
      %add3A_26 = arith.addi %add3A_25, %mul3A_24 : i32
      %mul3A_27 = arith.constant 128 : i32
      %mul3A_28 = arith.muli %add3A_26, %mul3A_27 : i32
      %add3A_29 = arith.addi %mul3A_2, %mul3A_28 : i32
      "tpu.region"() ({
        %run_scoped3A = tpu.sem_alloc : memref<!tpu.dma_semaphore, #tpu.memory_space<semaphore_mem>>
        %dma_start3A_123 = tpu.memref_slice %arg2[%add3A_29] : memref<204800xi32, #tpu.memory_space<hbm>> -> memref<128xi32, #tpu.memory_space<hbm>>
        %dma_start3A_124 = tpu.memref_slice %arg2[%add3A_29] : memref<204800xi32, #tpu.memory_space<hbm>> -> memref<128xi32, #tpu.memory_space<hbm>>
        tpu.enqueue_dma source(%dma_start3A_124 : memref<128xi32, #tpu.memory_space<hbm>>) target(%arg8 : memref<128xi32, #tpu.memory_space<vmem>>) target_semaphore(%run_scoped3A : memref<!tpu.dma_semaphore, #tpu.memory_space<semaphore_mem>>)
        %dma_wait3A_125 = tpu.memref_slice %arg2[%add3A_29] : memref<204800xi32, #tpu.memory_space<hbm>> -> memref<128xi32, #tpu.memory_space<hbm>>
        %dma_wait3A_126 = tpu.memref_slice %arg2[%add3A_29] : memref<204800xi32, #tpu.memory_space<hbm>> -> memref<128xi32, #tpu.memory_space<hbm>>
        tpu.wait_dma2 semaphore(%run_scoped3A : memref<!tpu.dma_semaphore, #tpu.memory_space<semaphore_mem>>) src(%dma_wait3A_126 : memref<128xi32, #tpu.memory_space<hbm>>) dst(%arg8 : memref<128xi32, #tpu.memory_space<vmem>>)
        tpu.yield
      }) : () -> ()
      "tpu.region"() ({
        %run_scoped3A = tpu.sem_alloc : memref<!tpu.dma_semaphore, #tpu.memory_space<semaphore_mem>>
        %dma_start3A_123 = tpu.memref_slice %arg3[%add3A_29] : memref<204800xi32, #tpu.memory_space<hbm>> -> memref<128xi32, #tpu.memory_space<hbm>>
        %dma_start3A_124 = tpu.memref_slice %arg3[%add3A_29] : memref<204800xi32, #tpu.memory_space<hbm>> -> memref<128xi32, #tpu.memory_space<hbm>>
        tpu.enqueue_dma source(%dma_start3A_124 : memref<128xi32, #tpu.memory_space<hbm>>) target(%arg9 : memref<128xi32, #tpu.memory_space<vmem>>) target_semaphore(%run_scoped3A : memref<!tpu.dma_semaphore, #tpu.memory_space<semaphore_mem>>)
        %dma_wait3A_125 = tpu.memref_slice %arg3[%add3A_29] : memref<204800xi32, #tpu.memory_space<hbm>> -> memref<128xi32, #tpu.memory_space<hbm>>
        %dma_wait3A_126 = tpu.memref_slice %arg3[%add3A_29] : memref<204800xi32, #tpu.memory_space<hbm>> -> memref<128xi32, #tpu.memory_space<hbm>>
        tpu.wait_dma2 semaphore(%run_scoped3A : memref<!tpu.dma_semaphore, #tpu.memory_space<semaphore_mem>>) src(%dma_wait3A_126 : memref<128xi32, #tpu.memory_space<hbm>>) dst(%arg9 : memref<128xi32, #tpu.memory_space<vmem>>)
        tpu.yield
      }) : () -> ()
      %dma_start3A = arith.constant 0 : i32
      %dma_start3A_30 = arith.constant 0 : i32
      %dma_start3A_31 = tpu.memref_slice %arg4[%dma_start3A, %dma_start3A_30] : memref<100001x300xf32, #tpu.memory_space<hbm>> -> memref<100001x128xf32, #tpu.memory_space<hbm>>
      %dma_start3A_32 = arith.constant 0 : i32
      %dma_start3A_33 = arith.constant 0 : i32
      %dma_start3A_34 = tpu.memref_slice %dma_start3A_31[%dma_start3A_32, %dma_start3A_33] : memref<100001x128xf32, #tpu.memory_space<hbm>> -> memref<100001x128xf32, #tpu.memory_space<hbm>>
      tpu.enqueue_indirect_dma source(%dma_start3A_34 : memref<100001x128xf32, #tpu.memory_space<hbm>>) target(%arg10 : memref<128x128xf32, #tpu.memory_space<vmem>>) offsets(%arg8 : memref<128xi32, #tpu.memory_space<vmem>>) semaphore(%arg14 : memref<!tpu.dma_semaphore, #tpu.memory_space<semaphore_mem>>)
      %dma_start3A_35 = arith.constant 0 : i32
      %dma_start3A_36 = arith.constant 128 : i32
      %dma_start3A_37 = tpu.memref_slice %arg4[%dma_start3A_35, %dma_start3A_36] : memref<100001x300xf32, #tpu.memory_space<hbm>> -> memref<100001x128xf32, #tpu.memory_space<hbm>>
      %dma_start3A_38 = arith.constant 0 : i32
      %dma_start3A_39 = arith.constant 0 : i32
      %dma_start3A_40 = tpu.memref_slice %dma_start3A_37[%dma_start3A_38, %dma_start3A_39] : memref<100001x128xf32, #tpu.memory_space<hbm>> -> memref<100001x128xf32, #tpu.memory_space<hbm>>
      tpu.enqueue_indirect_dma source(%dma_start3A_40 : memref<100001x128xf32, #tpu.memory_space<hbm>>) target(%arg11 : memref<128x128xf32, #tpu.memory_space<vmem>>) offsets(%arg8 : memref<128xi32, #tpu.memory_space<vmem>>) semaphore(%arg15 : memref<!tpu.dma_semaphore, #tpu.memory_space<semaphore_mem>>)
      %dma_start3A_41 = arith.constant 0 : i32
      %dma_start3A_42 = arith.constant 0 : i32
      %dma_start3A_43 = tpu.memref_slice %arg5[%dma_start3A_41, %dma_start3A_42] : memref<100001x128xf32, #tpu.memory_space<hbm>> -> memref<100001x128xf32, #tpu.memory_space<hbm>>
      tpu.enqueue_indirect_dma source(%dma_start3A_43 : memref<100001x128xf32, #tpu.memory_space<hbm>>) target(%arg12 : memref<128x128xf32, #tpu.memory_space<vmem>>) offsets(%arg8 : memref<128xi32, #tpu.memory_space<vmem>>) semaphore(%arg16 : memref<!tpu.dma_semaphore, #tpu.memory_space<semaphore_mem>>)
      %dma_wait3A = arith.constant 0 : i32
      %dma_wait3A_44 = arith.constant 0 : i32
      %dma_wait3A_45 = tpu.memref_slice %arg4[%dma_wait3A, %dma_wait3A_44] : memref<100001x300xf32, #tpu.memory_space<hbm>> -> memref<100001x128xf32, #tpu.memory_space<hbm>>
      %dma_wait3A_46 = arith.constant 0 : i32
      %dma_wait3A_47 = arith.constant 0 : i32
      %dma_wait3A_48 = tpu.memref_slice %dma_wait3A_45[%dma_wait3A_46, %dma_wait3A_47] : memref<100001x128xf32, #tpu.memory_space<hbm>> -> memref<100001x128xf32, #tpu.memory_space<hbm>>
      tpu.wait_indirect_dma semaphore(%arg14 : memref<!tpu.dma_semaphore, #tpu.memory_space<semaphore_mem>>) src(%dma_wait3A_48 : memref<100001x128xf32, #tpu.memory_space<hbm>>) dst(%arg10 : memref<128x128xf32, #tpu.memory_space<vmem>>)
      %dma_wait3A_49 = arith.constant 0 : i32
      %dma_wait3A_50 = arith.constant 128 : i32
      %dma_wait3A_51 = tpu.memref_slice %arg4[%dma_wait3A_49, %dma_wait3A_50] : memref<100001x300xf32, #tpu.memory_space<hbm>> -> memref<100001x128xf32, #tpu.memory_space<hbm>>
      %dma_wait3A_52 = arith.constant 0 : i32
      %dma_wait3A_53 = arith.constant 0 : i32
      %dma_wait3A_54 = tpu.memref_slice %dma_wait3A_51[%dma_wait3A_52, %dma_wait3A_53] : memref<100001x128xf32, #tpu.memory_space<hbm>> -> memref<100001x128xf32, #tpu.memory_space<hbm>>
      tpu.wait_indirect_dma semaphore(%arg15 : memref<!tpu.dma_semaphore, #tpu.memory_space<semaphore_mem>>) src(%dma_wait3A_54 : memref<100001x128xf32, #tpu.memory_space<hbm>>) dst(%arg11 : memref<128x128xf32, #tpu.memory_space<vmem>>)
      %dma_start3A_55 = arith.constant 0 : i32
      %dma_start3A_56 = tpu.memref_slice %arg7[%add3A_29, %dma_start3A_55] : memref<204800x384xf32, #tpu.memory_space<hbm>> -> memref<128x384xf32, #tpu.memory_space<hbm>>
      %dma_start3A_57 = arith.constant 0 : i32
      %dma_start3A_58 = arith.constant 0 : i32
      %dma_start3A_59 = tpu.memref_slice %dma_start3A_56[%dma_start3A_57, %dma_start3A_58] : memref<128x384xf32, #tpu.memory_space<hbm>> -> memref<128x128xf32, #tpu.memory_space<hbm>>
      %dma_start3A_60 = arith.constant 0 : i32
      %dma_start3A_61 = tpu.memref_slice %arg7[%add3A_29, %dma_start3A_60] : memref<204800x384xf32, #tpu.memory_space<hbm>> -> memref<128x384xf32, #tpu.memory_space<hbm>>
      %dma_start3A_62 = arith.constant 0 : i32
      %dma_start3A_63 = arith.constant 0 : i32
      %dma_start3A_64 = tpu.memref_slice %dma_start3A_61[%dma_start3A_62, %dma_start3A_63] : memref<128x384xf32, #tpu.memory_space<hbm>> -> memref<128x128xf32, #tpu.memory_space<hbm>>
      tpu.enqueue_dma source(%arg10 : memref<128x128xf32, #tpu.memory_space<vmem>>) target(%dma_start3A_64 : memref<128x128xf32, #tpu.memory_space<hbm>>) target_semaphore(%arg17 : memref<!tpu.dma_semaphore, #tpu.memory_space<semaphore_mem>>)
      %dma_start3A_65 = arith.constant 0 : i32
      %dma_start3A_66 = tpu.memref_slice %arg7[%add3A_29, %dma_start3A_65] : memref<204800x384xf32, #tpu.memory_space<hbm>> -> memref<128x384xf32, #tpu.memory_space<hbm>>
      %dma_start3A_67 = arith.constant 0 : i32
      %dma_start3A_68 = arith.constant 128 : i32
      %dma_start3A_69 = tpu.memref_slice %dma_start3A_66[%dma_start3A_67, %dma_start3A_68] : memref<128x384xf32, #tpu.memory_space<hbm>> -> memref<128x128xf32, #tpu.memory_space<hbm>>
      %dma_start3A_70 = arith.constant 0 : i32
      %dma_start3A_71 = tpu.memref_slice %arg7[%add3A_29, %dma_start3A_70] : memref<204800x384xf32, #tpu.memory_space<hbm>> -> memref<128x384xf32, #tpu.memory_space<hbm>>
      %dma_start3A_72 = arith.constant 0 : i32
      %dma_start3A_73 = arith.constant 128 : i32
      %dma_start3A_74 = tpu.memref_slice %dma_start3A_71[%dma_start3A_72, %dma_start3A_73] : memref<128x384xf32, #tpu.memory_space<hbm>> -> memref<128x128xf32, #tpu.memory_space<hbm>>
      tpu.enqueue_dma source(%arg11 : memref<128x128xf32, #tpu.memory_space<vmem>>) target(%dma_start3A_74 : memref<128x128xf32, #tpu.memory_space<hbm>>) target_semaphore(%arg17 : memref<!tpu.dma_semaphore, #tpu.memory_space<semaphore_mem>>)
      %dma_wait3A_75 = arith.constant 0 : i32
      %dma_wait3A_76 = arith.constant 0 : i32
      %dma_wait3A_77 = tpu.memref_slice %arg5[%dma_wait3A_75, %dma_wait3A_76] : memref<100001x128xf32, #tpu.memory_space<hbm>> -> memref<100001x128xf32, #tpu.memory_space<hbm>>
      tpu.wait_indirect_dma semaphore(%arg16 : memref<!tpu.dma_semaphore, #tpu.memory_space<semaphore_mem>>) src(%dma_wait3A_77 : memref<100001x128xf32, #tpu.memory_space<hbm>>) dst(%arg12 : memref<128x128xf32, #tpu.memory_space<vmem>>)
      %scan3A_78 = arith.constant 0 : i32
      %scan3A_79 = arith.constant 128 : i32
      %scan3A_80 = arith.addi %scan3A_78, %scan3A_79 : i32
      %scan3A_81 = arith.constant 1 : i32
      scf.for %scan3A_123 = %scan3A_78 to %scan3A_80 step %scan3A_81  : i32 {
        %mul3A_124 = arith.constant 1 : i32
        %mul3A_125 = arith.muli %scan3A_123, %mul3A_124 : i32
        %add3A_126 = arith.constant 0 : i32
        %add3A_127 = arith.addi %add3A_126, %mul3A_125 : i32
        %broadcast_in_dim3A = arith.constant 0 : i32
        %broadcast_in_dim3A_128 = vector.broadcast %broadcast_in_dim3A : i32 to vector<16xi32>
        %add3A_129 = vector.broadcast %add3A_127 : i32 to vector<16xi32>
        %add3A_130 = arith.addi %broadcast_in_dim3A_128, %add3A_129 : vector<16xi32>
        %gather3A = tpu.vector_load_idx %arg9[%add3A_130] : memref<128xi32, #tpu.memory_space<vmem>>[vector<16xi32>], vector<16xi32>,
        %gather3A_131 = tpu.vector_load_idx %arg13[%gather3A, %add3A_5] : memref<56x128xf32, #tpu.memory_space<vmem>>[vector<16xi32>, vector<16xi32>], vector<16xf32>,
        %get3A = arith.index_cast %add3A_127 : i32 to index
        %get3A_132 = arith.constant 32 : index
        %get3A_133 = tpu.vector_load %arg12[%get3A, %get3A_132] {strides = array<i32>} : memref<128x128xf32, #tpu.memory_space<vmem>>, vector<16xf32>,
        %add3A_134 = arith.addf %get3A_133, %gather3A_131 : vector<16xf32>
        %swap3A = arith.index_cast %add3A_127 : i32 to index
        %swap3A_135 = arith.constant 32 : index
        %swap3A_136 = tpu.vector_load %arg12[%swap3A, %swap3A_135] {strides = array<i32>} : memref<128x128xf32, #tpu.memory_space<vmem>>, vector<16xf32>,
        tpu.vector_store %arg12[%swap3A, %swap3A_135], %add3A_134 {strides = array<i32>} : memref<128x128xf32, #tpu.memory_space<vmem>>, vector<16xf32>,
        %gather3A_137 = tpu.vector_load_idx %arg13[%gather3A, %add3A_9] : memref<56x128xf32, #tpu.memory_space<vmem>>[vector<16xi32>, vector<16xi32>], vector<16xf32>,
        %get3A_138 = arith.index_cast %add3A_127 : i32 to index
        %get3A_139 = arith.constant 48 : index
        %get3A_140 = tpu.vector_load %arg12[%get3A_138, %get3A_139] {strides = array<i32>} : memref<128x128xf32, #tpu.memory_space<vmem>>, vector<16xf32>,
        %add3A_141 = arith.addf %get3A_140, %gather3A_137 : vector<16xf32>
        %swap3A_142 = arith.index_cast %add3A_127 : i32 to index
        %swap3A_143 = arith.constant 48 : index
        %swap3A_144 = tpu.vector_load %arg12[%swap3A_142, %swap3A_143] {strides = array<i32>} : memref<128x128xf32, #tpu.memory_space<vmem>>, vector<16xf32>,
        tpu.vector_store %arg12[%swap3A_142, %swap3A_143], %add3A_141 {strides = array<i32>} : memref<128x128xf32, #tpu.memory_space<vmem>>, vector<16xf32>,
        %gather3A_145 = tpu.vector_load_idx %arg13[%gather3A, %add3A_13] : memref<56x128xf32, #tpu.memory_space<vmem>>[vector<16xi32>, vector<16xi32>], vector<16xf32>,
        %get3A_146 = arith.index_cast %add3A_127 : i32 to index
        %get3A_147 = arith.constant 64 : index
        %get3A_148 = tpu.vector_load %arg12[%get3A_146, %get3A_147] {strides = array<i32>} : memref<128x128xf32, #tpu.memory_space<vmem>>, vector<16xf32>,
        %add3A_149 = arith.addf %get3A_148, %gather3A_145 : vector<16xf32>
        %swap3A_150 = arith.index_cast %add3A_127 : i32 to index
        %swap3A_151 = arith.constant 64 : index
        %swap3A_152 = tpu.vector_load %arg12[%swap3A_150, %swap3A_151] {strides = array<i32>} : memref<128x128xf32, #tpu.memory_space<vmem>>, vector<16xf32>,
        tpu.vector_store %arg12[%swap3A_150, %swap3A_151], %add3A_149 {strides = array<i32>} : memref<128x128xf32, #tpu.memory_space<vmem>>, vector<16xf32>,
        %gather3A_153 = tpu.vector_load_idx %arg13[%gather3A, %add3A_17] : memref<56x128xf32, #tpu.memory_space<vmem>>[vector<16xi32>, vector<16xi32>], vector<16xf32>,
        %get3A_154 = arith.index_cast %add3A_127 : i32 to index
        %get3A_155 = arith.constant 80 : index
        %get3A_156 = tpu.vector_load %arg12[%get3A_154, %get3A_155] {strides = array<i32>} : memref<128x128xf32, #tpu.memory_space<vmem>>, vector<16xf32>,
        %add3A_157 = arith.addf %get3A_156, %gather3A_153 : vector<16xf32>
        %swap3A_158 = arith.index_cast %add3A_127 : i32 to index
        %swap3A_159 = arith.constant 80 : index
        %swap3A_160 = tpu.vector_load %arg12[%swap3A_158, %swap3A_159] {strides = array<i32>} : memref<128x128xf32, #tpu.memory_space<vmem>>, vector<16xf32>,
        tpu.vector_store %arg12[%swap3A_158, %swap3A_159], %add3A_157 {strides = array<i32>} : memref<128x128xf32, #tpu.memory_space<vmem>>, vector<16xf32>,
      }
      %scan3A_82 = arith.constant 128 : i32
      %dma_start3A_83 = arith.constant 0 : i32
      %dma_start3A_84 = tpu.memref_slice %arg7[%add3A_29, %dma_start3A_83] : memref<204800x384xf32, #tpu.memory_space<hbm>> -> memref<128x384xf32, #tpu.memory_space<hbm>>
      %dma_start3A_85 = arith.constant 0 : i32
      %dma_start3A_86 = arith.constant 256 : i32
      %dma_start3A_87 = tpu.memref_slice %dma_start3A_84[%dma_start3A_85, %dma_start3A_86] : memref<128x384xf32, #tpu.memory_space<hbm>> -> memref<128x128xf32, #tpu.memory_space<hbm>>
      %dma_start3A_88 = arith.constant 0 : i32
      %dma_start3A_89 = tpu.memref_slice %arg7[%add3A_29, %dma_start3A_88] : memref<204800x384xf32, #tpu.memory_space<hbm>> -> memref<128x384xf32, #tpu.memory_space<hbm>>
      %dma_start3A_90 = arith.constant 0 : i32
      %dma_start3A_91 = arith.constant 256 : i32
      %dma_start3A_92 = tpu.memref_slice %dma_start3A_89[%dma_start3A_90, %dma_start3A_91] : memref<128x384xf32, #tpu.memory_space<hbm>> -> memref<128x128xf32, #tpu.memory_space<hbm>>
      tpu.enqueue_dma source(%arg12 : memref<128x128xf32, #tpu.memory_space<vmem>>) target(%dma_start3A_92 : memref<128x128xf32, #tpu.memory_space<hbm>>) target_semaphore(%arg17 : memref<!tpu.dma_semaphore, #tpu.memory_space<semaphore_mem>>)
      %dma_wait3A_93 = arith.constant 0 : i32
      %dma_wait3A_94 = tpu.memref_slice %arg7[%add3A_29, %dma_wait3A_93] : memref<204800x384xf32, #tpu.memory_space<hbm>> -> memref<128x384xf32, #tpu.memory_space<hbm>>
      %dma_wait3A_95 = arith.constant 0 : i32
      %dma_wait3A_96 = arith.constant 0 : i32
      %dma_wait3A_97 = tpu.memref_slice %dma_wait3A_94[%dma_wait3A_95, %dma_wait3A_96] : memref<128x384xf32, #tpu.memory_space<hbm>> -> memref<128x128xf32, #tpu.memory_space<hbm>>
      %dma_wait3A_98 = arith.constant 0 : i32
      %dma_wait3A_99 = tpu.memref_slice %arg7[%add3A_29, %dma_wait3A_98] : memref<204800x384xf32, #tpu.memory_space<hbm>> -> memref<128x384xf32, #tpu.memory_space<hbm>>
      %dma_wait3A_100 = arith.constant 0 : i32
      %dma_wait3A_101 = arith.constant 0 : i32
      %dma_wait3A_102 = tpu.memref_slice %dma_wait3A_99[%dma_wait3A_100, %dma_wait3A_101] : memref<128x384xf32, #tpu.memory_space<hbm>> -> memref<128x128xf32, #tpu.memory_space<hbm>>
      tpu.wait_dma2 semaphore(%arg17 : memref<!tpu.dma_semaphore, #tpu.memory_space<semaphore_mem>>) src(%arg10 : memref<128x128xf32, #tpu.memory_space<vmem>>) dst(%dma_wait3A_102 : memref<128x128xf32, #tpu.memory_space<hbm>>)
      %dma_wait3A_103 = arith.constant 0 : i32
      %dma_wait3A_104 = tpu.memref_slice %arg7[%add3A_29, %dma_wait3A_103] : memref<204800x384xf32, #tpu.memory_space<hbm>> -> memref<128x384xf32, #tpu.memory_space<hbm>>
      %dma_wait3A_105 = arith.constant 0 : i32
      %dma_wait3A_106 = arith.constant 128 : i32
      %dma_wait3A_107 = tpu.memref_slice %dma_wait3A_104[%dma_wait3A_105, %dma_wait3A_106] : memref<128x384xf32, #tpu.memory_space<hbm>> -> memref<128x128xf32, #tpu.memory_space<hbm>>
      %dma_wait3A_108 = arith.constant 0 : i32
      %dma_wait3A_109 = tpu.memref_slice %arg7[%add3A_29, %dma_wait3A_108] : memref<204800x384xf32, #tpu.memory_space<hbm>> -> memref<128x384xf32, #tpu.memory_space<hbm>>
      %dma_wait3A_110 = arith.constant 0 : i32
      %dma_wait3A_111 = arith.constant 128 : i32
      %dma_wait3A_112 = tpu.memref_slice %dma_wait3A_109[%dma_wait3A_110, %dma_wait3A_111] : memref<128x384xf32, #tpu.memory_space<hbm>> -> memref<128x128xf32, #tpu.memory_space<hbm>>
      tpu.wait_dma2 semaphore(%arg17 : memref<!tpu.dma_semaphore, #tpu.memory_space<semaphore_mem>>) src(%arg11 : memref<128x128xf32, #tpu.memory_space<vmem>>) dst(%dma_wait3A_112 : memref<128x128xf32, #tpu.memory_space<hbm>>)
      %dma_wait3A_113 = arith.constant 0 : i32
      %dma_wait3A_114 = tpu.memref_slice %arg7[%add3A_29, %dma_wait3A_113] : memref<204800x384xf32, #tpu.memory_space<hbm>> -> memref<128x384xf32, #tpu.memory_space<hbm>>
      %dma_wait3A_115 = arith.constant 0 : i32
      %dma_wait3A_116 = arith.constant 256 : i32
      %dma_wait3A_117 = tpu.memref_slice %dma_wait3A_114[%dma_wait3A_115, %dma_wait3A_116] : memref<128x384xf32, #tpu.memory_space<hbm>> -> memref<128x128xf32, #tpu.memory_space<hbm>>
      %dma_wait3A_118 = arith.constant 0 : i32
      %dma_wait3A_119 = tpu.memref_slice %arg7[%add3A_29, %dma_wait3A_118] : memref<204800x384xf32, #tpu.memory_space<hbm>> -> memref<128x384xf32, #tpu.memory_space<hbm>>
      %dma_wait3A_120 = arith.constant 0 : i32
      %dma_wait3A_121 = arith.constant 256 : i32
      %dma_wait3A_122 = tpu.memref_slice %dma_wait3A_119[%dma_wait3A_120, %dma_wait3A_121] : memref<128x384xf32, #tpu.memory_space<hbm>> -> memref<128x128xf32, #tpu.memory_space<hbm>>
      tpu.wait_dma2 semaphore(%arg17 : memref<!tpu.dma_semaphore, #tpu.memory_space<semaphore_mem>>) src(%arg12 : memref<128x128xf32, #tpu.memory_space<vmem>>) dst(%dma_wait3A_122 : memref<128x128xf32, #tpu.memory_space<hbm>>)
    }
    %scan3A_21 = arith.constant 50 : i32
    return
  }
}

</mosaic_0001>

<sc_bundles>
// kernel: kernel.3.cloned.1.call-start
scs
__scs_entry_jumppad:
0x0: {  	(pc) =	sbr.rel $0x88, $3  }
0x1: {  	(tag) =	ssettag $0x0;
	lr =	simm.s32 $0x1  }
0x2: {  	[smem:$0x3F9D] =	sst lr;
	_ =	strace $0xD0000000  }
0x3: {  	_ = 	snop  }
0x4: {  	_ = 	snop  }
0x5: {  	_ = 	snop  }
0x6: {  	_ = 	snop  }
0x7: {  	_ = 	snop  }
__scs_overlays_trampoline_lowered:
0x8: {  	[smem:$0x3FAC] =	sst s0  }
0x9: {  	[smem:$0x3FAD] =	sst s1  }
0xa: {  	[smem:$0x3FAE] =	sst s2  }
0xb: {  	[smem:$0x3FAF] =	sst s3  }
0xc: {  	[smem:$0x3FB0] =	sst s4  }
0xd: {  	[smem:$0x3FB1] =	sst s5  }
0xe: {  	[smem:$0x3FB2] =	sst s6  }
0xf: {  	[smem:$0x3FB3] =	sst s7  }
0x10: {  	[smem:$0x3FB4] =	sst s8  }
0x11: {  	[smem:$0x3FB5] =	sst s9;
	s0 =	simm.s32 @!p0 $0x0  }
0x12: {  	s1 =	sld [smem:$0x3F9B];
	s0 =	simm.s32 @p0 $0x1  }
0x13: {  	[smem:$0x3FB6] =	sst s0;
	s0 =	simm.s32 @!p1 $0x0  }
0x14: {  	s2 =	sld [smem:$0x3F9A];
	s0 =	simm.s32 @p1 $0x1  }
0x15: {  	[smem:$0x3FB7] =	sst s0;
	s0 =	simm.s32 @!p2 $0x0  }
0x16: {  	s3 =	sld [smem:$0x3FDB];
	s0 =	simm.s32 @p2 $0x1  }
0x17: {  	s4 =	simm.s32 $0x1BF5;
	[smem:$0x3FB9] =	sst s0  }
0x18: {  	s0 =	sld [smem:$0x3F9C];
	_ =	swait.ge [sflag:s4], $0x0  }
0x19: {  	s7 =	sld [smem:$0x3F9D]  }
0x1a: {  	s8 =	sadd.s32 $0xFFFFE003, lr  }
0x1b: {  	s9 =	sadd.s32 $0xFFFFFEF7, lr;
	s5 =	simm.s32 $0xFFFFFFFF;
	p2 =	slt.u32 s8, $0xFFFFF086  }
0x1c: {  	p1 =	slt.u32 s9, $0xF7A;
	s5 =	simm.s32 @!p2 $0x0  }
0x1d: {  	s5 =	simm.s32 @p1 $0x1;
	p0 =	seq.s32 s7, s2  }
0x1e: {  	s7 =	smul.u32 @!p0 $0xF7A, s2;
	p2 =	seq.s32 @!p0 s5, $0x0  }
0x1f: {  	s9 =	smul.u32 $0xF7A, s1;
	s8 =	simm.s32 @!p0 $0x1BF5;
	p2 =	por !p2, p0  }
0x20: {  	[sflag:s8] =	ssyncset.s32 @!p0 $0xFFFFF086;
	s6 =	sadd.s32 @!p0 s3, s7;
	s7 =	simm.s32 @!p0 $0x108  }
0x21: {  	s3 =	sadd.s32 s3, s9;
	s6 =	sadd.s32 @!p0 $0x88, s6;
	s7 =	simm.s32 @p2 $0x1082  }
0x22: {  	[simem:s7], [sflag:s8] =	dma.local @!p0 [hbm:s6], $0xF7A  }
0x23: {  	s9 =	sor.u32 $0xD0000000, s2;
	s6 =	simm.s32 $0x108;
	_ =	swait.ge @!p0 [sflag:s8], $0x0  }
0x24: {  	s3 =	sadd.s32 $0x88, s3;
	s6 =	simm.s32 @!p1 $0x1082;
	[sflag:s4] =	ssyncset.s32 $0xFFFFF086  }
0x25: {  	[simem:s6], [sflag:s4] =	dma.local [hbm:s3], $0xF7A  }
0x26: {  	[smem:$0x3F9D] =	sst s1;
	(tag) =	ssettag s2;
	_ =	strace s9  }
0x27: {  	s1 =	sld [smem:$0x3FAD]  }
0x28: {  	s2 =	sld [smem:$0x3FAE]  }
0x29: {  	s4 =	sld [smem:$0x3FB0]  }
0x2a: {  	p0 =	seq.s32 s5, $0x0;
	s5 =	sld [smem:$0x3FB1]  }
0x2b: {  	s6 =	sld [smem:$0x3FB2]  }
0x2c: {  	s7 =	sld [smem:$0x3FB3]  }
0x2d: {  	s3 =	simm.s32 $0x108;
	s8 =	sld [smem:$0x3FB4]  }
0x2e: {  	s3 =	simm.s32 @!p0 $0x1082;
	s9 =	sld [smem:$0x3FB5]  }
0x2f: {  	lr =	sadd.s32 s0, s3;
	s0 =	sld [smem:$0x3FAC]  }
0x30: {  	s3 =	sld [smem:$0x3FAF]  }
0x31: {  	[smem:$0x3FB8] =	sst s10  }
0x32: {  	s10 =	sld [smem:$0x3FB6];
	_ =	sdelay $0x3  }
0x33: {  	p0 =	seq.s32 s10, $0x1;
	s10 =	sld [smem:$0x3FB8];
	_ =	sdelay $0x3  }
0x34: {  	[smem:$0x3FB8] =	sst s10  }
0x35: {  	s10 =	sld [smem:$0x3FB7];
	_ =	sdelay $0x3  }
0x36: {  	p1 =	seq.s32 s10, $0x1;
	s10 =	sld [smem:$0x3FB8];
	_ =	sdelay $0x3  }
0x37: {  	[smem:$0x3FB8] =	sst s10  }
0x38: {  	s10 =	sld [smem:$0x3FB9]  }
0x39: {  	_ = 	snop;
	(pc) =	sbr.ind lr, $3  }
0x3a: {  	_ = 	snop  }
0x3b: {  	_ = 	snop  }
0x3c: {  	p2 =	seq.s32 s10, $0x1;
	s10 =	sld [smem:$0x3FB8]  }
0x3d: {  	_ =	shalt  }
0x3e: {  	_ =	shalt  }
0x3f: {  	_ =	shalt  }
0x40: {  	_ =	shalt  }
0x41: {  	_ =	shalt  }
0x42: {  	_ =	shalt  }
0x43: {  	_ =	shalt  }
0x44: {  	_ =	shalt  }
0x45: {  	_ =	shalt  }
0x46: {  	_ =	shalt  }
0x47: {  	_ =	shalt  }
0x48: {  	_ =	shalt  }
0x49: {  	_ =	shalt  }
0x4a: {  	_ =	shalt  }
0x4b: {  	_ =	shalt  }
0x4c: {  	_ =	shalt  }
0x4d: {  	_ =	shalt  }
0x4e: {  	_ =	shalt  }
0x4f: {  	_ =	shalt  }
0x50: {  	_ =	shalt  }
0x51: {  	_ =	shalt  }
0x52: {  	_ =	shalt  }
0x53: {  	_ =	shalt  }
0x54: {  	_ =	shalt  }
0x55: {  	_ =	shalt  }
0x56: {  	_ =	shalt  }
0x57: {  	_ =	shalt  }
0x58: {  	_ =	shalt  }
0x59: {  	_ =	shalt  }
0x5a: {  	_ =	shalt  }
0x5b: {  	_ =	shalt  }
0x5c: {  	_ =	shalt  }
0x5d: {  	_ =	shalt  }
0x5e: {  	_ =	shalt  }
0x5f: {  	_ =	shalt  }
0x60: {  	_ =	shalt  }
0x61: {  	_ =	shalt  }
0x62: {  	_ =	shalt  }
0x63: {  	_ =	shalt  }
0x64: {  	_ =	shalt  }
0x65: {  	_ =	shalt  }
0x66: {  	_ =	shalt  }
0x67: {  	_ =	shalt  }
0x68: {  	_ =	shalt  }
0x69: {  	_ =	shalt  }
0x6a: {  	_ =	shalt  }
0x6b: {  	_ =	shalt  }
0x6c: {  	_ =	shalt  }
0x6d: {  	_ =	shalt  }
0x6e: {  	_ =	shalt  }
0x6f: {  	_ =	shalt  }
0x70: {  	_ =	shalt  }
0x71: {  	_ =	shalt  }
0x72: {  	_ =	shalt  }
0x73: {  	_ =	shalt  }
0x74: {  	_ =	shalt  }
0x75: {  	_ =	shalt  }
0x76: {  	_ =	shalt  }
0x77: {  	_ =	shalt  }
0x78: {  	_ =	shalt  }
0x79: {  	_ =	shalt  }
0x7a: {  	_ =	shalt  }
0x7b: {  	_ =	shalt  }
0x7c: {  	_ =	shalt  }
0x7d: {  	_ =	shalt  }
0x7e: {  	_ =	shalt  }
0x7f: {  	_ =	shalt  }
0x80: {  	_ =	shalt  }
0x81: {  	_ =	shalt  }
0x82: {  	_ =	shalt  }
0x83: {  	_ =	shalt  }
0x84: {  	_ =	shalt  }
0x85: {  	_ =	shalt  }
0x86: {  	_ =	shalt  }
0x87: {  	_ =	shalt  }
.Lfunc_end0:
.L_simem_size_0:
called_computation.1_lowered:
.L_overlay_start_0:
0x88: {  	s2 =	sld [smem:$0x3FD9]  }
0x89: {  	s3 =	sld [smem:$0x3FFE];
	_ =	sdelay $0x1  }
0x8a: {  	s1 =	srdreg.scid  }
0x8b: {  	s0 =	sand.u32 $0x1, s1  }
0x8c: {  	s17 =	sshll.u32 s0, $0xA;
	s2 =	sadd.s32 s3, s2  }
0x8d: {  	s2 =	sadd.s32 s2, s17  }
0x8e: {  	[smem:$0x3FC4] =	sst s2  }
0x8f: {  	_ = 	snop  }
0x90: {  	s2 =	sld [smem:$0x3FD0];
	(tm) =	ssettm $0x1  }
0x91: {  	s18 =	sld [smem:$0x3FFB];
	_ =	sdelay $0x3  }
0x92: {  	_ =	strace s18  }
0x93: {  	s3 =	sld [smem:$0x3FFC];
	_ =	sdelay $0x3  }
0x94: {  	_ =	strace s3  }
0x95: {  	s3 =	sld [smem:$0x3FFD];
	_ =	sdelay $0x3  }
0x96: {  	_ =	strace s3  }
0x97: {  	_ =	strace $0x8FFFFFFF  }
0x98: {  	s19 =	sld [smem:$0x3FDB];
	_ =	sdelay $0x1  }
0x99: {  	s4 =	simm.s32 $_scs_section_size  }
0x9a: {  	s5 =	simm.s32 $_size__tile_overlayer_lowered;
	s6 =	simm.s32 $_tile_overlayer_lowered  }
0x9b: {  	s22 =	simm.s32 $0x1BFF;
	s21 =	sshll.u32 s6, $0x1;
	s3 =	sadd.s32 s4, s19  }
0x9c: {  	s7 =	simm.s32 $0x0;
	s20 =	sshll.u32 s5, $0x1;
	s5 =	sadd.s32 s21, s3  }
0x9d: {  	[timem:s7], [sflag:s22] =	dma.local [hbm:s5], s20  }
0x9e: {  	_ =	swait.ge [sflag:s22], s20  }
0x9f: {  	s4 =	ssub.s32 $0x0, s20;
	[sflag:s22] =	ssyncset.done $0x0  }
0xa0: {  	[sflag:s22] =	ssyncadd.s32 s4;
	_ =	sdelay $0x1  }
0xa1: {  	s23 =	simm.s32 $0x1B8B  }
0xa2: {  	_ =	swait.ge [sflag:s23], $0x1  }
0xa3: {  	[sflag:s23] =	ssyncset.done $0x0  }
0xa4: {  	s25 =	simm.s32 $0x1B8E;
	s24 =	sld [smem:$0x3FFE];
	[sflag:s23] =	ssyncadd.s32 $0xFFFFFFFF  }
0xa5: {  	s26 =	simm.s32 $execute0_lowered;
	[smem:$0x3FD2] =	sst s25  }
0xa6: {  	s5 =	sshll.u32 s26, $0x1;
	_ =	strace $0x80000046;
	[dreg:$0x1] =	wrdreg $0xFFFFFFFF  }
0xa7: {  	s28 =	simm.s32 $_size_execute0_lowered;
	s3 =	sadd.s32 s3, s5;
	[dreg:$0x0] =	wrdreg $0x0  }
0xa8: {  	s5 =	sshll.u32 s28, $0x1;
	[dreg:$0x2] =	wrdreg s3  }
0xa9: {  	[dreg:$0x3] =	wrdreg s5  }
0xaa: {  	[dreg:$0x4] =	wrdreg $0xC0  }
0xab: {  	_ =	task [dreg:s7], $0x5FFFF  }
0xac: {  	[dreg:$0x1] =	wrdreg $0xFFFFFFFF  }
0xad: {  	[dreg:$0x0] =	wrdreg $0x60  }
0xae: {  	[dreg:$0x2] =	wrdreg s24  }
0xaf: {  	[dreg:$0x3] =	wrdreg s2  }
0xb0: {  	[dreg:$0x4] =	wrdreg $0x9  }
0xb1: {  	_ =	task.clear_ibuf [dreg:s7], $0x5FFFF;
	_ =	strace $0x90000046  }
0xb2: {  	s29 =	simm.s32 $0x9;
	_ =	strace $0x80000048  }
0xb3: {  	_ =	swait.ge [sflag:s29], $0x1  }
0xb4: {  	[sflag:s29] =	ssyncadd.s32 $0xFFFFFFFF  }
0xb5: {  	_ =	strace $0x90000048  }
0xb6: {  	_ =	sfence  }
0xb7: {  	s30 =	sld [smem:$0x0];
	_ =	sdelay $0x2  }
0xb8: {  	s31 =	sshll.u32 s1, $0xD;
	s1 =	sshrl.u32 s1, $0x2  }
0xb9: {  	s3 =	sand.u32 $0x4000, s31;
	s1 =	sadd.s32 s1, s30  }
0xba: {  	s0 =	sor.u32 s3, s0;
	s1 =	sshll.u32 s1, $0x11  }
0xbb: {  	s0 =	sor.u32 s1, s0  }
0xbc: {  	s0 =	sadd.s32 $0x8F2B, s0  }
0xbd: {  	[sflag:s0] =	ssyncadd.remote.s32 $0x1  }
0xbe: {  	_ =	sfence.sel $0xFFFF  }
0xbf: {  	[dreg:$0x0] =	wrdreg $0xFFFFFFFF;
	(pc) =	sbr.abs _section_cstart, $3  }
0xc0: {  	[dreg:$0x1] =	wrdreg $0xFFFFFFFF  }
0xc1: {  	_ =	task.clear_ibuf [dreg:s7], $0x2FFFF;
	_ =	strace $0x9FFFFFFF  }
0xc2: {  	(tm) =	ssettm $0x7FFFFFFF  }
0xc3: {  	_ =	shalt  }
tec
execute0_lowered:
.L_overlay_start_1:
0x0: {  	(tag) =	ssettag $0x1  }
0x1: {  	s0 =	rddreg [dreg:$0x0]  }
0x2: {  	s1 =	rddreg [dreg:$0x1];
	s2 =	simm.s32 $0x0;
	s25 =	srdreg.scid  }
0x3: {  	s7 =	stileid.u32;
	s12 =	simm.s32 $0xC100;
	s13 =	simm.s32 $0x5  }
0x4: {  	s14 =	simm.s32 $0x80;
	s15 =	simm.s32 $0x100;
	s21 =	simm.s32 $0x400  }
0x5: {  	s17 =	simm.s32 $0xC00;
	s28 =	simm.s32 $0x8100;
	s18 =	simm.s32 $0x7D00  }
0x6: {  	s19 =	simm.s32 $0x7C00;
	s20 =	simm.s32 $0x7C80;
	s22 =	simm.s32 $0x7A80  }
0x7: {  	s23 =	simm.s32 $0x7900;
	s24 =	simm.s32 $0x7980;
	s29 =	simm.s32 $0x2  }
0x8: {  	v0 =	vimm.s32 $0x3;
	v20 =	vlaneseq.u32;
	s30 =	simm.s32 $0x3;
	s31 =	simm.s32 $0x4;
	[smem:$0x7FF] =	sst s2  }
0x9: {  	v1 =	vimm.s32 $0x7;
	v2 =	vimm.s32 $0x0;
	vm0 =	vmmov $0x1;
	s4 =	sadd.s32 $0xA00, s0;
	s5 =	sadd.s32 $0x6E00, s0;
	s2 =	sand.u32 $0x1, s25  }
0xa: {  	v4 =	vimm.s32 $0x1;
	v5 =	vimm.s32 $0x2;
	v6 =	vimm.s32 $0x4;
	s6 =	sadd.s32 $0x194200, s0;
	s7 =	sshll.u32 s7, $0x1;
	s8 =	sadd.s32 $0x193E00, s0  }
0xb: {  	v7 =	vimm.s32 $0x5;
	v8 =	vimm.s32 $0x6;
	v9 =	vimm.s32 $0x8;
	s10 =	sadd.s32 $0x80, s1;
	s25 =	simm.s32 $0x7A00;
	s3 =	ssub.s32 $0x2, s2  }
0xc: {  	v10 =	vimm.s32 $0x9;
	v11 =	vimm.s32 $0xA;
	v12 =	vimm.s32 $0xB;
	_ =	strace $0x80000047;
	[dreg:$0x3] =	wrdreg s8;
	s9 =	sshrl.u32 s3, $0x1  }
0xd: {  	v13 =	vimm.s32 $0xC;
	v14 =	vimm.s32 $0xD;
	v15 =	vimm.s32 $0xE;
	s2 =	sor.u32 s2, s7;
	s8 =	sadd.s32 $0x31AE00, s0;
	s26 =	ssub.s32 s3, s9  }
0xe: {  	v16 =	vimm.s32 $0xF;
	v3 =	vmul.u32 $0x8, v20;
	v17 =	vor.u32 $0x20, v20;
	s7 =	simm.s32 $0x4100;
	s9 =	smul.u32 $0x1900, s2;
	s0 =	smax.u32 s26, $0x1  }
0xf: {  	v18 =	vor.u32 $0x30, v20;
	v19 =	vor.u32 $0x40, v20;
	v20 =	vor.u32 $0x50, v20;
	s2 =	simm.s32 $0x0;
	s26 =	simm.s32 $0x1;
	[dreg:$0x4] =	wrdreg s0  }
.LBB2_1:
0x10: {  	[dreg:$0x5] =	wrdreg s2  }
0x11: {  	s0 =	simm.s32 $0x0;
	s16 =	rddreg [dreg:$0x3]  }
0x12: {  	[tilespmem:s12], [sflag:$0x5] =	stream.linear.gather [hbm4b:s16+s0], $0x1C00, $0x38;
	[tilespmem:$0xDD00] =	vst v63  }
0x13: {  	_ =	swait.ge [sflag:s13], $0x1C00  }
0x14: {  	[sflag:s13] =	ssyncset.done $0x0  }
0x15: {  	s0 =	simm.s32 $0x0;
	[sflag:s13] =	ssyncadd.s32 $0xFFFFE400  }
.LBB2_2:
0x16: {  	s2 =	sshll.u32 s0, $0x7  }
0x17: {  	s2 =	sadd.s32 s9, s2  }
0x18: {  	s2 =	sshrl.u32 s2, $0x3  }
0x19: {  	s3 =	simm.s32 $0x0;
	s11 =	sadd.s32 s4, s2  }
0x1a: {  	[tilespmem:s3], [sflag:$0x5] =	stream.linear.gather [hbm4b:s11+s3], $0x80, $0x38;
	[tilespmem:$0xDD00] =	vst v63  }
0x1b: {  	_ =	swait.ge [sflag:s13], $0x80  }
0x1c: {  	[sflag:s13] =	ssyncset.done $0x0  }
0x1d: {  	s16 =	sadd.s32 s5, s2;
	[sflag:s13] =	ssyncadd.s32 $0xFFFFFF80  }
0x1e: {  	[tilespmem:s14], [sflag:$0x5] =	stream.linear.gather [hbm4b:s16+s3], $0x80, $0x38;
	[tilespmem:$0xDD00] =	vst v63  }
0x1f: {  	_ =	swait.ge [sflag:s13], $0x80  }
0x20: {  	[sflag:s13] =	ssyncset.done $0x0  }
0x21: {  	[sflag:s13] =	ssyncadd.s32 $0xFFFFFF80  }
0x22: {  	v21 =	vld [tilespmem:$0x0];
	_ =	sdelay $0x4  }
0x23: {  	v22 =	vshrl.u32 v21, $0x3  }
0x24: {  	v22 =	vmul.u32 $0x18, v22  }
0x25: {  	v21 =	vand.u32 $0x7, v21  }
0x26: {  	v21 =	vor.u32 v21, v22  }
0x27: {  	v22 =	vperm.xlane v21, v2;
	_ =	sdelay $0x1  }
0x28: {  	v23 =	vperm.xlane v21, v4;
	v22 =	vadd.s32 v3, v22;
	_ =	sdelay $0x1  }
0x29: {  	v24 =	vperm.xlane v21, v5;
	v23 =	vadd.s32 v3, v23;
	_ =	sdelay $0x1  }
0x2a: {  	v25 =	vperm.xlane v21, v0;
	v24 =	vadd.s32 v3, v24  }
0x2b: {  	[tilespmem:s15], [sflag:$0x1] =	stream.indirect_vreg.gather [hbm4b:s1+s3], $0x80, v22, vm0, $0xb8;
	[tilespmem:$0xDD00] =	vst v63  }
0x2c: {  	s16 =	simm.s32 $0x180;
	v44 =	vperm.xlane v21, v6;
	v22 =	vadd.s32 v3, v25  }
0x2d: {  	[tilespmem:s16], [sflag:$0x1] =	stream.indirect_vreg.gather [hbm4b:s1+s3], $0x80, v23, vm0, $0xb8;
	[tilespmem:$0xDD00] =	vst v63  }
0x2e: {  	v45 =	vperm.xlane v21, v7;
	v23 =	vadd.s32 v3, v44;
	s16 =	simm.s32 $0x200  }
0x2f: {  	[tilespmem:s16], [sflag:$0x1] =	stream.indirect_vreg.gather [hbm4b:s1+s3], $0x80, v24, vm0, $0xb8;
	[tilespmem:$0xDD00] =	vst v63  }
0x30: {  	v47 =	vperm.xlane v21, v8;
	v46 =	vadd.s32 v3, v45;
	s16 =	simm.s32 $0x280  }
0x31: {  	[tilespmem:s16], [sflag:$0x1] =	stream.indirect_vreg.gather [hbm4b:s1+s3], $0x80, v22, vm0, $0xb8;
	[tilespmem:$0xDD00] =	vst v63  }
0x32: {  	v48 =	vperm.xlane v21, v1;
	v22 =	vadd.s32 v3, v47;
	s16 =	simm.s32 $0x300  }
0x33: {  	[tilespmem:s16], [sflag:$0x1] =	stream.indirect_vreg.gather [hbm4b:s1+s3], $0x80, v23, vm0, $0xb8;
	[tilespmem:$0xDD00] =	vst v63  }
0x34: {  	v49 =	vperm.xlane v21, v9;
	v23 =	vadd.s32 v3, v48;
	s16 =	simm.s32 $0x380  }
0x35: {  	[tilespmem:s16], [sflag:$0x1] =	stream.indirect_vreg.gather [hbm4b:s1+s3], $0x80, v46, vm0, $0xb8;
	[tilespmem:$0xDD00] =	vst v63  }
0x36: {  	v51 =	vperm.xlane v21, v10;
	v50 =	vadd.s32 v3, v49  }
0x37: {  	[tilespmem:s21], [sflag:$0x1] =	stream.indirect_vreg.gather [hbm4b:s1+s3], $0x80, v22, vm0, $0xb8;
	[tilespmem:$0xDD00] =	vst v63  }
0x38: {  	v52 =	vperm.xlane v21, v11;
	s16 =	simm.s32 $0x480;
	v22 =	vadd.s32 v3, v51  }
0x39: {  	[tilespmem:s16], [sflag:$0x1] =	stream.indirect_vreg.gather [hbm4b:s1+s3], $0x80, v23, vm0, $0xb8;
	[tilespmem:$0xDD00] =	vst v63  }
0x3a: {  	v53 =	vperm.xlane v21, v12;
	v23 =	vadd.s32 v3, v52;
	s16 =	simm.s32 $0x500  }
0x3b: {  	[tilespmem:s16], [sflag:$0x1] =	stream.indirect_vreg.gather [hbm4b:s1+s3], $0x80, v50, vm0, $0xb8;
	[tilespmem:$0xDD00] =	vst v63  }
0x3c: {  	v55 =	vperm.xlane v21, v13;
	v54 =	vadd.s32 v3, v53;
	s16 =	simm.s32 $0x580  }
0x3d: {  	[tilespmem:s16], [sflag:$0x1] =	stream.indirect_vreg.gather [hbm4b:s1+s3], $0x80, v22, vm0, $0xb8;
	[tilespmem:$0xDD00] =	vst v63  }
0x3e: {  	v56 =	vperm.xlane v21, v14;
	v22 =	vadd.s32 v3, v55;
	s16 =	simm.s32 $0x600  }
0x3f: {  	[tilespmem:s16], [sflag:$0x1] =	stream.indirect_vreg.gather [hbm4b:s1+s3], $0x80, v23, vm0, $0xb8;
	[tilespmem:$0xDD00] =	vst v63  }
0x40: {  	v57 =	vperm.xlane v21, v15;
	v23 =	vadd.s32 v3, v56;
	s16 =	simm.s32 $0x680  }
0x41: {  	[tilespmem:s16], [sflag:$0x1] =	stream.indirect_vreg.gather [hbm4b:s1+s3], $0x80, v54, vm0, $0xb8;
	[tilespmem:$0xDD00] =	vst v63  }
0x42: {  	v21 =	vperm.xlane v21, v16;
	v58 =	vadd.s32 v3, v57;
	s16 =	simm.s32 $0x700  }
0x43: {  	[tilespmem:s16], [sflag:$0x1] =	stream.indirect_vreg.gather [hbm4b:s1+s3], $0x80, v22, vm0, $0xb8;
	[tilespmem:$0xDD00] =	vst v63  }
0x44: {  	v21 =	vadd.s32 v3, v21;
	s16 =	simm.s32 $0x780  }
0x45: {  	[tilespmem:s16], [sflag:$0x1] =	stream.indirect_vreg.gather [hbm4b:s1+s3], $0x80, v23, vm0, $0xb8;
	[tilespmem:$0xDD00] =	vst v63  }
0x46: {  	s16 =	simm.s32 $0x800  }
0x47: {  	[tilespmem:s16], [sflag:$0x1] =	stream.indirect_vreg.gather [hbm4b:s1+s3], $0x80, v58, vm0, $0xb8;
	[tilespmem:$0xDD00] =	vst v63  }
0x48: {  	s16 =	simm.s32 $0x880  }
0x49: {  	[tilespmem:s16], [sflag:$0x1] =	stream.indirect_vreg.gather [hbm4b:s1+s3], $0x80, v21, vm0, $0xb8;
	[tilespmem:$0xDD00] =	vst v63  }
0x4a: {  	v21 =	vld [tilespmem:$0x10];
	_ =	sdelay $0x4  }
0x4b: {  	v22 =	vshrl.u32 v21, $0x3  }
0x4c: {  	v22 =	vmul.u32 $0x18, v22  }
0x4d: {  	v21 =	vand.u32 $0x7, v21  }
0x4e: {  	v21 =	vor.u32 v21, v22  }
0x4f: {  	v22 =	vperm.xlane v21, v2;
	_ =	sdelay $0x1  }
0x50: {  	v23 =	vperm.xlane v21, v4;
	v22 =	vadd.s32 v3, v22;
	_ =	sdelay $0x1  }
0x51: {  	v59 =	vperm.xlane v21, v5;
	v23 =	vadd.s32 v3, v23;
	_ =	sdelay $0x1  }
0x52: {  	s16 =	simm.s32 $0x900;
	v60 =	vperm.xlane v21, v0;
	v24 =	vadd.s32 v3, v59  }
0x53: {  	[tilespmem:s16], [sflag:$0x1] =	stream.indirect_vreg.gather [hbm4b:s1+s3], $0x80, v22, vm0, $0xb8;
	[tilespmem:$0xDD00] =	vst v63  }
0x54: {  	v61 =	vperm.xlane v21, v6;
	v22 =	vadd.s32 v3, v60;
	s16 =	simm.s32 $0x980  }
0x55: {  	[tilespmem:s16], [sflag:$0x1] =	stream.indirect_vreg.gather [hbm4b:s1+s3], $0x80, v23, vm0, $0xb8;
	[tilespmem:$0xDD00] =	vst v63  }
0x56: {  	v62 =	vperm.xlane v21, v7;
	v23 =	vadd.s32 v3, v61;
	s16 =	simm.s32 $0xA00  }
0x57: {  	[tilespmem:s16], [sflag:$0x1] =	stream.indirect_vreg.gather [hbm4b:s1+s3], $0x80, v24, vm0, $0xb8;
	[tilespmem:$0xDD00] =	vst v63  }
0x58: {  	v28 =	vperm.xlane v21, v8;
	v63 =	vadd.s32 v3, v62;
	s16 =	simm.s32 $0xA80  }
0x59: {  	[tilespmem:s16], [sflag:$0x1] =	stream.indirect_vreg.gather [hbm4b:s1+s3], $0x80, v22, vm0, $0xb8;
	[tilespmem:$0xDD00] =	vst v63  }
0x5a: {  	v29 =	vperm.xlane v21, v1;
	v22 =	vadd.s32 v3, v28;
	s16 =	simm.s32 $0xB00  }
0x5b: {  	[tilespmem:s16], [sflag:$0x1] =	stream.indirect_vreg.gather [hbm4b:s1+s3], $0x80, v23, vm0, $0xb8;
	[tilespmem:$0xDD00] =	vst v63  }
0x5c: {  	v30 =	vperm.xlane v21, v9;
	v23 =	vadd.s32 v3, v29;
	s16 =	simm.s32 $0xB80  }
0x5d: {  	[tilespmem:s16], [sflag:$0x1] =	stream.indirect_vreg.gather [hbm4b:s1+s3], $0x80, v63, vm0, $0xb8;
	[tilespmem:$0xDD00] =	vst v63  }
0x5e: {  	v32 =	vperm.xlane v21, v10;
	v31 =	vadd.s32 v3, v30  }
0x5f: {  	[tilespmem:s17], [sflag:$0x1] =	stream.indirect_vreg.gather [hbm4b:s1+s3], $0x80, v22, vm0, $0xb8;
	[tilespmem:$0xDD00] =	vst v63  }
0x60: {  	v33 =	vperm.xlane v21, v11;
	s16 =	simm.s32 $0xC80;
	v22 =	vadd.s32 v3, v32  }
0x61: {  	[tilespmem:s16], [sflag:$0x1] =	stream.indirect_vreg.gather [hbm4b:s1+s3], $0x80, v23, vm0, $0xb8;
	[tilespmem:$0xDD00] =	vst v63  }
0x62: {  	v34 =	vperm.xlane v21, v12;
	v23 =	vadd.s32 v3, v33;
	s16 =	simm.s32 $0xD00  }
0x63: {  	[tilespmem:s16], [sflag:$0x1] =	stream.indirect_vreg.gather [hbm4b:s1+s3], $0x80, v31, vm0, $0xb8;
	[tilespmem:$0xDD00] =	vst v63  }
0x64: {  	v36 =	vperm.xlane v21, v13;
	v35 =	vadd.s32 v3, v34;
	s16 =	simm.s32 $0xD80  }
0x65: {  	[tilespmem:s16], [sflag:$0x1] =	stream.indirect_vreg.gather [hbm4b:s1+s3], $0x80, v22, vm0, $0xb8;
	[tilespmem:$0xDD00] =	vst v63  }
0x66: {  	v37 =	vperm.xlane v21, v14;
	v22 =	vadd.s32 v3, v36;
	s16 =	simm.s32 $0xE00  }
0x67: {  	[tilespmem:s16], [sflag:$0x1] =	stream.indirect_vreg.gather [hbm4b:s1+s3], $0x80, v23, vm0, $0xb8;
	[tilespmem:$0xDD00] =	vst v63  }
0x68: {  	v38 =	vperm.xlane v21, v15;
	v23 =	vadd.s32 v3, v37;
	s16 =	simm.s32 $0xE80  }
0x69: {  	[tilespmem:s16], [sflag:$0x1] =	stream.indirect_vreg.gather [hbm4b:s1+s3], $0x80, v35, vm0, $0xb8;
	[tilespmem:$0xDD00] =	vst v63  }
0x6a: {  	v21 =	vperm.xlane v21, v16;
	v39 =	vadd.s32 v3, v38;
	s16 =	simm.s32 $0xF00  }
0x6b: {  	[tilespmem:s16], [sflag:$0x1] =	stream.indirect_vreg.gather [hbm4b:s1+s3], $0x80, v22, vm0, $0xb8;
	[tilespmem:$0xDD00] =	vst v63  }
0x6c: {  	v21 =	vadd.s32 v3, v21;
	s16 =	simm.s32 $0xF80  }
0x6d: {  	[tilespmem:s16], [sflag:$0x1] =	stream.indirect_vreg.gather [hbm4b:s1+s3], $0x80, v23, vm0, $0xb8;
	[tilespmem:$0xDD00] =	vst v63  }
0x6e: {  	s16 =	simm.s32 $0x1000  }
0x6f: {  	[tilespmem:s16], [sflag:$0x1] =	stream.indirect_vreg.gather [hbm4b:s1+s3], $0x80, v39, vm0, $0xb8;
	[tilespmem:$0xDD00] =	vst v63  }
0x70: {  	s16 =	simm.s32 $0x1080  }
0x71: {  	[tilespmem:s16], [sflag:$0x1] =	stream.indirect_vreg.gather [hbm4b:s1+s3], $0x80, v21, vm0, $0xb8;
	[tilespmem:$0xDD00] =	vst v63  }
0x72: {  	v21 =	vld [tilespmem:$0x20];
	_ =	sdelay $0x4  }
0x73: {  	v22 =	vshrl.u32 v21, $0x3  }
0x74: {  	v22 =	vmul.u32 $0x18, v22  }
0x75: {  	v21 =	vand.u32 $0x7, v21  }
0x76: {  	v21 =	vor.u32 v21, v22  }
0x77: {  	v22 =	vperm.xlane v21, v2;
	_ =	sdelay $0x1  }
0x78: {  	v23 =	vperm.xlane v21, v4;
	v22 =	vadd.s32 v3, v22;
	_ =	sdelay $0x1  }
0x79: {  	v40 =	vperm.xlane v21, v5;
	v23 =	vadd.s32 v3, v23;
	_ =	sdelay $0x1  }
0x7a: {  	s16 =	simm.s32 $0x1100;
	v41 =	vperm.xlane v21, v0;
	v24 =	vadd.s32 v3, v40  }
0x7b: {  	[tilespmem:s16], [sflag:$0x1] =	stream.indirect_vreg.gather [hbm4b:s1+s3], $0x80, v22, vm0, $0xb8;
	[tilespmem:$0xDD00] =	vst v63  }
0x7c: {  	v42 =	vperm.xlane v21, v6;
	v22 =	vadd.s32 v3, v41;
	s16 =	simm.s32 $0x1180  }
0x7d: {  	[tilespmem:s16], [sflag:$0x1] =	stream.indirect_vreg.gather [hbm4b:s1+s3], $0x80, v23, vm0, $0xb8;
	[tilespmem:$0xDD00] =	vst v63  }
0x7e: {  	v43 =	vperm.xlane v21, v7;
	v23 =	vadd.s32 v3, v42;
	s16 =	simm.s32 $0x1200  }
0x7f: {  	[tilespmem:s16], [sflag:$0x1] =	stream.indirect_vreg.gather [hbm4b:s1+s3], $0x80, v24, vm0, $0xb8;
	[tilespmem:$0xDD00] =	vst v63  }
0x80: {  	v45 =	vperm.xlane v21, v8;
	v44 =	vadd.s32 v3, v43;
	s16 =	simm.s32 $0x1280  }
0x81: {  	[tilespmem:s16], [sflag:$0x1] =	stream.indirect_vreg.gather [hbm4b:s1+s3], $0x80, v22, vm0, $0xb8;
	[tilespmem:$0xDD00] =	vst v63  }
0x82: {  	v46 =	vperm.xlane v21, v1;
	v22 =	vadd.s32 v3, v45;
	s16 =	simm.s32 $0x1300  }
0x83: {  	[tilespmem:s16], [sflag:$0x1] =	stream.indirect_vreg.gather [hbm4b:s1+s3], $0x80, v23, vm0, $0xb8;
	[tilespmem:$0xDD00] =	vst v63  }
0x84: {  	v47 =	vperm.xlane v21, v9;
	v23 =	vadd.s32 v3, v46;
	s16 =	simm.s32 $0x1380  }
0x85: {  	[tilespmem:s16], [sflag:$0x1] =	stream.indirect_vreg.gather [hbm4b:s1+s3], $0x80, v44, vm0, $0xb8;
	[tilespmem:$0xDD00] =	vst v63  }
0x86: {  	v49 =	vperm.xlane v21, v10;
	v48 =	vadd.s32 v3, v47;
	s16 =	simm.s32 $0x1400  }
0x87: {  	[tilespmem:s16], [sflag:$0x1] =	stream.indirect_vreg.gather [hbm4b:s1+s3], $0x80, v22, vm0, $0xb8;
	[tilespmem:$0xDD00] =	vst v63  }
0x88: {  	v50 =	vperm.xlane v21, v11;
	v22 =	vadd.s32 v3, v49;
	s16 =	simm.s32 $0x1480  }
0x89: {  	[tilespmem:s16], [sflag:$0x1] =	stream.indirect_vreg.gather [hbm4b:s1+s3], $0x80, v23, vm0, $0xb8;
	[tilespmem:$0xDD00] =	vst v63  }
0x8a: {  	v51 =	vperm.xlane v21, v12;
	v23 =	vadd.s32 v3, v50;
	s16 =	simm.s32 $0x1500  }
0x8b: {  	[tilespmem:s16], [sflag:$0x1] =	stream.indirect_vreg.gather [hbm4b:s1+s3], $0x80, v48, vm0, $0xb8;
	[tilespmem:$0xDD00] =	vst v63  }
0x8c: {  	v53 =	vperm.xlane v21, v13;
	v52 =	vadd.s32 v3, v51;
	s16 =	simm.s32 $0x1580  }
0x8d: {  	[tilespmem:s16], [sflag:$0x1] =	stream.indirect_vreg.gather [hbm4b:s1+s3], $0x80, v22, vm0, $0xb8;
	[tilespmem:$0xDD00] =	vst v63  }
0x8e: {  	v54 =	vperm.xlane v21, v14;
	v22 =	vadd.s32 v3, v53;
	s16 =	simm.s32 $0x1600  }
0x8f: {  	[tilespmem:s16], [sflag:$0x1] =	stream.indirect_vreg.gather [hbm4b:s1+s3], $0x80, v23, vm0, $0xb8;
	[tilespmem:$0xDD00] =	vst v63  }
0x90: {  	v55 =	vperm.xlane v21, v15;
	v23 =	vadd.s32 v3, v54;
	s16 =	simm.s32 $0x1680  }
0x91: {  	[tilespmem:s16], [sflag:$0x1] =	stream.indirect_vreg.gather [hbm4b:s1+s3], $0x80, v52, vm0, $0xb8;
	[tilespmem:$0xDD00] =	vst v63  }
0x92: {  	v21 =	vperm.xlane v21, v16;
	v56 =	vadd.s32 v3, v55;
	s16 =	simm.s32 $0x1700  }
0x93: {  	[tilespmem:s16], [sflag:$0x1] =	stream.indirect_vreg.gather [hbm4b:s1+s3], $0x80, v22, vm0, $0xb8;
	[tilespmem:$0xDD00] =	vst v63  }
0x94: {  	v21 =	vadd.s32 v3, v21;
	s16 =	simm.s32 $0x1780  }
0x95: {  	[tilespmem:s16], [sflag:$0x1] =	stream.indirect_vreg.gather [hbm4b:s1+s3], $0x80, v23, vm0, $0xb8;
	[tilespmem:$0xDD00] =	vst v63  }
0x96: {  	s16 =	simm.s32 $0x1800  }
0x97: {  	[tilespmem:s16], [sflag:$0x1] =	stream.indirect_vreg.gather [hbm4b:s1+s3], $0x80, v56, vm0, $0xb8;
	[tilespmem:$0xDD00] =	vst v63  }
0x98: {  	s16 =	simm.s32 $0x1880  }
0x99: {  	[tilespmem:s16], [sflag:$0x1] =	stream.indirect_vreg.gather [hbm4b:s1+s3], $0x80, v21, vm0, $0xb8;
	[tilespmem:$0xDD00] =	vst v63  }
0x9a: {  	v21 =	vld [tilespmem:$0x30];
	_ =	sdelay $0x4  }
0x9b: {  	v22 =	vshrl.u32 v21, $0x3  }
0x9c: {  	v22 =	vmul.u32 $0x18, v22  }
0x9d: {  	v21 =	vand.u32 $0x7, v21  }
0x9e: {  	v21 =	vor.u32 v21, v22  }
0x9f: {  	v22 =	vperm.xlane v21, v2;
	_ =	sdelay $0x1  }
0xa0: {  	v23 =	vperm.xlane v21, v4;
	v22 =	vadd.s32 v3, v22;
	_ =	sdelay $0x1  }
0xa1: {  	v57 =	vperm.xlane v21, v5;
	v23 =	vadd.s32 v3, v23;
	_ =	sdelay $0x1  }
0xa2: {  	s16 =	simm.s32 $0x1900;
	v58 =	vperm.xlane v21, v0;
	v24 =	vadd.s32 v3, v57  }
0xa3: {  	[tilespmem:s16], [sflag:$0x1] =	stream.indirect_vreg.gather [hbm4b:s1+s3], $0x80, v22, vm0, $0xb8;
	[tilespmem:$0xDD00] =	vst v63  }
0xa4: {  	v59 =	vperm.xlane v21, v6;
	v22 =	vadd.s32 v3, v58;
	s16 =	simm.s32 $0x1980  }
0xa5: {  	[tilespmem:s16], [sflag:$0x1] =	stream.indirect_vreg.gather [hbm4b:s1+s3], $0x80, v23, vm0, $0xb8;
	[tilespmem:$0xDD00] =	vst v63  }
0xa6: {  	v60 =	vperm.xlane v21, v7;
	v23 =	vadd.s32 v3, v59;
	s16 =	simm.s32 $0x1A00  }
0xa7: {  	[tilespmem:s16], [sflag:$0x1] =	stream.indirect_vreg.gather [hbm4b:s1+s3], $0x80, v24, vm0, $0xb8;
	[tilespmem:$0xDD00] =	vst v63  }
0xa8: {  	v62 =	vperm.xlane v21, v8;
	v61 =	vadd.s32 v3, v60;
	s16 =	simm.s32 $0x1A80  }
0xa9: {  	[tilespmem:s16], [sflag:$0x1] =	stream.indirect_vreg.gather [hbm4b:s1+s3], $0x80, v22, vm0, $0xb8;
	[tilespmem:$0xDD00] =	vst v63  }
0xaa: {  	v63 =	vperm.xlane v21, v1;
	v22 =	vadd.s32 v3, v62;
	s16 =	simm.s32 $0x1B00  }
0xab: {  	[tilespmem:s16], [sflag:$0x1] =	stream.indirect_vreg.gather [hbm4b:s1+s3], $0x80, v23, vm0, $0xb8;
	[tilespmem:$0xDD00] =	vst v63  }
0xac: {  	v28 =	vperm.xlane v21, v9;
	v23 =	vadd.s32 v3, v63;
	s16 =	simm.s32 $0x1B80  }
0xad: {  	[tilespmem:s16], [sflag:$0x1] =	stream.indirect_vreg.gather [hbm4b:s1+s3], $0x80, v61, vm0, $0xb8;
	[tilespmem:$0xDD00] =	vst v63  }
0xae: {  	v30 =	vperm.xlane v21, v10;
	v29 =	vadd.s32 v3, v28;
	s16 =	simm.s32 $0x1C00  }
0xaf: {  	[tilespmem:s16], [sflag:$0x1] =	stream.indirect_vreg.gather [hbm4b:s1+s3], $0x80, v22, vm0, $0xb8;
	[tilespmem:$0xDD00] =	vst v63  }
0xb0: {  	v31 =	vperm.xlane v21, v11;
	v22 =	vadd.s32 v3, v30;
	s16 =	simm.s32 $0x1C80  }
0xb1: {  	[tilespmem:s16], [sflag:$0x1] =	stream.indirect_vreg.gather [hbm4b:s1+s3], $0x80, v23, vm0, $0xb8;
	[tilespmem:$0xDD00] =	vst v63  }
0xb2: {  	v32 =	vperm.xlane v21, v12;
	v23 =	vadd.s32 v3, v31;
	s16 =	simm.s32 $0x1D00  }
0xb3: {  	[tilespmem:s16], [sflag:$0x1] =	stream.indirect_vreg.gather [hbm4b:s1+s3], $0x80, v29, vm0, $0xb8;
	[tilespmem:$0xDD00] =	vst v63  }
0xb4: {  	v34 =	vperm.xlane v21, v13;
	v33 =	vadd.s32 v3, v32;
	s16 =	simm.s32 $0x1D80  }
0xb5: {  	[tilespmem:s16], [sflag:$0x1] =	stream.indirect_vreg.gather [hbm4b:s1+s3], $0x80, v22, vm0, $0xb8;
	[tilespmem:$0xDD00] =	vst v63  }
0xb6: {  	v35 =	vperm.xlane v21, v14;
	v22 =	vadd.s32 v3, v34;
	s16 =	simm.s32 $0x1E00  }
0xb7: {  	[tilespmem:s16], [sflag:$0x1] =	stream.indirect_vreg.gather [hbm4b:s1+s3], $0x80, v23, vm0, $0xb8;
	[tilespmem:$0xDD00] =	vst v63  }
0xb8: {  	v36 =	vperm.xlane v21, v15;
	v23 =	vadd.s32 v3, v35;
	s16 =	simm.s32 $0x1E80  }
0xb9: {  	[tilespmem:s16], [sflag:$0x1] =	stream.indirect_vreg.gather [hbm4b:s1+s3], $0x80, v33, vm0, $0xb8;
	[tilespmem:$0xDD00] =	vst v63  }
0xba: {  	v21 =	vperm.xlane v21, v16;
	v37 =	vadd.s32 v3, v36;
	s16 =	simm.s32 $0x1F00  }
0xbb: {  	[tilespmem:s16], [sflag:$0x1] =	stream.indirect_vreg.gather [hbm4b:s1+s3], $0x80, v22, vm0, $0xb8;
	[tilespmem:$0xDD00] =	vst v63  }
0xbc: {  	v21 =	vadd.s32 v3, v21;
	s16 =	simm.s32 $0x1F80  }
0xbd: {  	[tilespmem:s16], [sflag:$0x1] =	stream.indirect_vreg.gather [hbm4b:s1+s3], $0x80, v23, vm0, $0xb8;
	[tilespmem:$0xDD00] =	vst v63  }
0xbe: {  	s16 =	simm.s32 $0x2000  }
0xbf: {  	[tilespmem:s16], [sflag:$0x1] =	stream.indirect_vreg.gather [hbm4b:s1+s3], $0x80, v37, vm0, $0xb8;
	[tilespmem:$0xDD00] =	vst v63  }
0xc0: {  	s16 =	simm.s32 $0x2080  }
0xc1: {  	[tilespmem:s16], [sflag:$0x1] =	stream.indirect_vreg.gather [hbm4b:s1+s3], $0x80, v21, vm0, $0xb8;
	[tilespmem:$0xDD00] =	vst v63  }
0xc2: {  	v21 =	vld [tilespmem:$0x40];
	_ =	sdelay $0x4  }
0xc3: {  	v22 =	vshrl.u32 v21, $0x3  }
0xc4: {  	v22 =	vmul.u32 $0x18, v22  }
0xc5: {  	v21 =	vand.u32 $0x7, v21  }
0xc6: {  	v21 =	vor.u32 v21, v22  }
0xc7: {  	v22 =	vperm.xlane v21, v2;
	_ =	sdelay $0x1  }
0xc8: {  	v23 =	vperm.xlane v21, v4;
	v22 =	vadd.s32 v3, v22;
	_ =	sdelay $0x1  }
0xc9: {  	v38 =	vperm.xlane v21, v5;
	v23 =	vadd.s32 v3, v23;
	_ =	sdelay $0x1  }
0xca: {  	s16 =	simm.s32 $0x2100;
	v39 =	vperm.xlane v21, v0;
	v24 =	vadd.s32 v3, v38  }
0xcb: {  	[tilespmem:s16], [sflag:$0x1] =	stream.indirect_vreg.gather [hbm4b:s1+s3], $0x80, v22, vm0, $0xb8;
	[tilespmem:$0xDD00] =	vst v63  }
0xcc: {  	v40 =	vperm.xlane v21, v6;
	v22 =	vadd.s32 v3, v39;
	s16 =	simm.s32 $0x2180  }
0xcd: {  	[tilespmem:s16], [sflag:$0x1] =	stream.indirect_vreg.gather [hbm4b:s1+s3], $0x80, v23, vm0, $0xb8;
	[tilespmem:$0xDD00] =	vst v63  }
0xce: {  	v41 =	vperm.xlane v21, v7;
	v23 =	vadd.s32 v3, v40;
	s16 =	simm.s32 $0x2200  }
0xcf: {  	[tilespmem:s16], [sflag:$0x1] =	stream.indirect_vreg.gather [hbm4b:s1+s3], $0x80, v24, vm0, $0xb8;
	[tilespmem:$0xDD00] =	vst v63  }
0xd0: {  	v43 =	vperm.xlane v21, v8;
	v42 =	vadd.s32 v3, v41;
	s16 =	simm.s32 $0x2280  }
0xd1: {  	[tilespmem:s16], [sflag:$0x1] =	stream.indirect_vreg.gather [hbm4b:s1+s3], $0x80, v22, vm0, $0xb8;
	[tilespmem:$0xDD00] =	vst v63  }
0xd2: {  	v44 =	vperm.xlane v21, v1;
	v22 =	vadd.s32 v3, v43;
	s16 =	simm.s32 $0x2300  }
0xd3: {  	[tilespmem:s16], [sflag:$0x1] =	stream.indirect_vreg.gather [hbm4b:s1+s3], $0x80, v23, vm0, $0xb8;
	[tilespmem:$0xDD00] =	vst v63  }
0xd4: {  	v45 =	vperm.xlane v21, v9;
	v23 =	vadd.s32 v3, v44;
	s16 =	simm.s32 $0x2380  }
0xd5: {  	[tilespmem:s16], [sflag:$0x1] =	stream.indirect_vreg.gather [hbm4b:s1+s3], $0x80, v42, vm0, $0xb8;
	[tilespmem:$0xDD00] =	vst v63  }
0xd6: {  	v47 =	vperm.xlane v21, v10;
	v46 =	vadd.s32 v3, v45;
	s16 =	simm.s32 $0x2400  }
0xd7: {  	[tilespmem:s16], [sflag:$0x1] =	stream.indirect_vreg.gather [hbm4b:s1+s3], $0x80, v22, vm0, $0xb8;
	[tilespmem:$0xDD00] =	vst v63  }
0xd8: {  	v48 =	vperm.xlane v21, v11;
	v22 =	vadd.s32 v3, v47;
	s16 =	simm.s32 $0x2480  }
0xd9: {  	[tilespmem:s16], [sflag:$0x1] =	stream.indirect_vreg.gather [hbm4b:s1+s3], $0x80, v23, vm0, $0xb8;
	[tilespmem:$0xDD00] =	vst v63  }
0xda: {  	v49 =	vperm.xlane v21, v12;
	v23 =	vadd.s32 v3, v48;
	s16 =	simm.s32 $0x2500  }
0xdb: {  	[tilespmem:s16], [sflag:$0x1] =	stream.indirect_vreg.gather [hbm4b:s1+s3], $0x80, v46, vm0, $0xb8;
	[tilespmem:$0xDD00] =	vst v63  }
0xdc: {  	v51 =	vperm.xlane v21, v13;
	v50 =	vadd.s32 v3, v49;
	s16 =	simm.s32 $0x2580  }
0xdd: {  	[tilespmem:s16], [sflag:$0x1] =	stream.indirect_vreg.gather [hbm4b:s1+s3], $0x80, v22, vm0, $0xb8;
	[tilespmem:$0xDD00] =	vst v63  }
0xde: {  	v52 =	vperm.xlane v21, v14;
	v22 =	vadd.s32 v3, v51;
	s16 =	simm.s32 $0x2600  }
0xdf: {  	[tilespmem:s16], [sflag:$0x1] =	stream.indirect_vreg.gather [hbm4b:s1+s3], $0x80, v23, vm0, $0xb8;
	[tilespmem:$0xDD00] =	vst v63  }
0xe0: {  	v53 =	vperm.xlane v21, v15;
	v23 =	vadd.s32 v3, v52;
	s16 =	simm.s32 $0x2680  }
0xe1: {  	[tilespmem:s16], [sflag:$0x1] =	stream.indirect_vreg.gather [hbm4b:s1+s3], $0x80, v50, vm0, $0xb8;
	[tilespmem:$0xDD00] =	vst v63  }
0xe2: {  	v21 =	vperm.xlane v21, v16;
	v54 =	vadd.s32 v3, v53;
	s16 =	simm.s32 $0x2700  }
0xe3: {  	[tilespmem:s16], [sflag:$0x1] =	stream.indirect_vreg.gather [hbm4b:s1+s3], $0x80, v22, vm0, $0xb8;
	[tilespmem:$0xDD00] =	vst v63  }
0xe4: {  	v21 =	vadd.s32 v3, v21;
	s16 =	simm.s32 $0x2780  }
0xe5: {  	[tilespmem:s16], [sflag:$0x1] =	stream.indirect_vreg.gather [hbm4b:s1+s3], $0x80, v23, vm0, $0xb8;
	[tilespmem:$0xDD00] =	vst v63  }
0xe6: {  	s16 =	simm.s32 $0x2800  }
0xe7: {  	[tilespmem:s16], [sflag:$0x1] =	stream.indirect_vreg.gather [hbm4b:s1+s3], $0x80, v54, vm0, $0xb8;
	[tilespmem:$0xDD00] =	vst v63  }
0xe8: {  	s16 =	simm.s32 $0x2880  }
0xe9: {  	[tilespmem:s16], [sflag:$0x1] =	stream.indirect_vreg.gather [hbm4b:s1+s3], $0x80, v21, vm0, $0xb8;
	[tilespmem:$0xDD00] =	vst v63  }
0xea: {  	v21 =	vld [tilespmem:$0x50];
	_ =	sdelay $0x4  }
0xeb: {  	v22 =	vshrl.u32 v21, $0x3  }
0xec: {  	v22 =	vmul.u32 $0x18, v22  }
0xed: {  	v21 =	vand.u32 $0x7, v21  }
0xee: {  	v21 =	vor.u32 v21, v22  }
0xef: {  	v22 =	vperm.xlane v21, v2;
	_ =	sdelay $0x1  }
0xf0: {  	v23 =	vperm.xlane v21, v4;
	v22 =	vadd.s32 v3, v22;
	_ =	sdelay $0x1  }
0xf1: {  	v55 =	vperm.xlane v21, v5;
	v23 =	vadd.s32 v3, v23;
	_ =	sdelay $0x1  }
0xf2: {  	s16 =	simm.s32 $0x2900;
	v56 =	vperm.xlane v21, v0;
	v24 =	vadd.s32 v3, v55  }
0xf3: {  	[tilespmem:s16], [sflag:$0x1] =	stream.indirect_vreg.gather [hbm4b:s1+s3], $0x80, v22, vm0, $0xb8;
	[tilespmem:$0xDD00] =	vst v63  }
0xf4: {  	v57 =	vperm.xlane v21, v6;
	v22 =	vadd.s32 v3, v56;
	s16 =	simm.s32 $0x2980  }
0xf5: {  	[tilespmem:s16], [sflag:$0x1] =	stream.indirect_vreg.gather [hbm4b:s1+s3], $0x80, v23, vm0, $0xb8;
	[tilespmem:$0xDD00] =	vst v63  }
0xf6: {  	v58 =	vperm.xlane v21, v7;
	v23 =	vadd.s32 v3, v57;
	s16 =	simm.s32 $0x2A00  }
0xf7: {  	[tilespmem:s16], [sflag:$0x1] =	stream.indirect_vreg.gather [hbm4b:s1+s3], $0x80, v24, vm0, $0xb8;
	[tilespmem:$0xDD00] =	vst v63  }
0xf8: {  	v60 =	vperm.xlane v21, v8;
	v59 =	vadd.s32 v3, v58;
	s16 =	simm.s32 $0x2A80  }
0xf9: {  	[tilespmem:s16], [sflag:$0x1] =	stream.indirect_vreg.gather [hbm4b:s1+s3], $0x80, v22, vm0, $0xb8;
	[tilespmem:$0xDD00] =	vst v63  }
0xfa: {  	v61 =	vperm.xlane v21, v1;
	v22 =	vadd.s32 v3, v60;
	s16 =	simm.s32 $0x2B00  }
0xfb: {  	[tilespmem:s16], [sflag:$0x1] =	stream.indirect_vreg.gather [hbm4b:s1+s3], $0x80, v23, vm0, $0xb8;
	[tilespmem:$0xDD00] =	vst v63  }
0xfc: {  	v62 =	vperm.xlane v21, v9;
	v23 =	vadd.s32 v3, v61;
	s16 =	simm.s32 $0x2B80  }
0xfd: {  	[tilespmem:s16], [sflag:$0x1] =	stream.indirect_vreg.gather [hbm4b:s1+s3], $0x80, v59, vm0, $0xb8;
	[tilespmem:$0xDD00] =	vst v63  }
0xfe: {  	v28 =	vperm.xlane v21, v10;
	v63 =	vadd.s32 v3, v62;
	s16 =	simm.s32 $0x2C00  }
0xff: {  	[tilespmem:s16], [sflag:$0x1] =	stream.indirect_vreg.gather [hbm4b:s1+s3], $0x80, v22, vm0, $0xb8;
	[tilespmem:$0xDD00] =	vst v63  }
0x100: {  	v29 =	vperm.xlane v21, v11;
	v22 =	vadd.s32 v3, v28;
	s16 =	simm.s32 $0x2C80  }
0x101: {  	[tilespmem:s16], [sflag:$0x1] =	stream.indirect_vreg.gather [hbm4b:s1+s3], $0x80, v23, vm0, $0xb8;
	[tilespmem:$0xDD00] =	vst v63  }
0x102: {  	v30 =	vperm.xlane v21, v12;
	v23 =	vadd.s32 v3, v29;
	s16 =	simm.s32 $0x2D00  }
0x103: {  	[tilespmem:s16], [sflag:$0x1] =	stream.indirect_vreg.gather [hbm4b:s1+s3], $0x80, v63, vm0, $0xb8;
	[tilespmem:$0xDD00] =	vst v63  }
0x104: {  	v32 =	vperm.xlane v21, v13;
	v31 =	vadd.s32 v3, v30;
	s16 =	simm.s32 $0x2D80  }
0x105: {  	[tilespmem:s16], [sflag:$0x1] =	stream.indirect_vreg.gather [hbm4b:s1+s3], $0x80, v22, vm0, $0xb8;
	[tilespmem:$0xDD00] =	vst v63  }
0x106: {  	v33 =	vperm.xlane v21, v14;
	v22 =	vadd.s32 v3, v32;
	s16 =	simm.s32 $0x2E00  }
0x107: {  	[tilespmem:s16], [sflag:$0x1] =	stream.indirect_vreg.gather [hbm4b:s1+s3], $0x80, v23, vm0, $0xb8;
	[tilespmem:$0xDD00] =	vst v63  }
0x108: {  	v34 =	vperm.xlane v21, v15;
	v23 =	vadd.s32 v3, v33;
	s16 =	simm.s32 $0x2E80  }
0x109: {  	[tilespmem:s16], [sflag:$0x1] =	stream.indirect_vreg.gather [hbm4b:s1+s3], $0x80, v31, vm0, $0xb8;
	[tilespmem:$0xDD00] =	vst v63  }
0x10a: {  	v21 =	vperm.xlane v21, v16;
	v35 =	vadd.s32 v3, v34;
	s16 =	simm.s32 $0x2F00  }
0x10b: {  	[tilespmem:s16], [sflag:$0x1] =	stream.indirect_vreg.gather [hbm4b:s1+s3], $0x80, v22, vm0, $0xb8;
	[tilespmem:$0xDD00] =	vst v63  }
0x10c: {  	v21 =	vadd.s32 v3, v21;
	s16 =	simm.s32 $0x2F80  }
0x10d: {  	[tilespmem:s16], [sflag:$0x1] =	stream.indirect_vreg.gather [hbm4b:s1+s3], $0x80, v23, vm0, $0xb8;
	[tilespmem:$0xDD00] =	vst v63  }
0x10e: {  	s16 =	simm.s32 $0x3000  }
0x10f: {  	[tilespmem:s16], [sflag:$0x1] =	stream.indirect_vreg.gather [hbm4b:s1+s3], $0x80, v35, vm0, $0xb8;
	[tilespmem:$0xDD00] =	vst v63  }
0x110: {  	s16 =	simm.s32 $0x3080  }
0x111: {  	[tilespmem:s16], [sflag:$0x1] =	stream.indirect_vreg.gather [hbm4b:s1+s3], $0x80, v21, vm0, $0xb8;
	[tilespmem:$0xDD00] =	vst v63  }
0x112: {  	v21 =	vld [tilespmem:$0x60];
	_ =	sdelay $0x4  }
0x113: {  	v22 =	vshrl.u32 v21, $0x3  }
0x114: {  	v22 =	vmul.u32 $0x18, v22  }
0x115: {  	v21 =	vand.u32 $0x7, v21  }
0x116: {  	v21 =	vor.u32 v21, v22  }
0x117: {  	v22 =	vperm.xlane v21, v2;
	_ =	sdelay $0x1  }
0x118: {  	v23 =	vperm.xlane v21, v4;
	v22 =	vadd.s32 v3, v22;
	_ =	sdelay $0x1  }
0x119: {  	v36 =	vperm.xlane v21, v5;
	v23 =	vadd.s32 v3, v23;
	_ =	sdelay $0x1  }
0x11a: {  	s16 =	simm.s32 $0x3100;
	v37 =	vperm.xlane v21, v0;
	v24 =	vadd.s32 v3, v36  }
0x11b: {  	[tilespmem:s16], [sflag:$0x1] =	stream.indirect_vreg.gather [hbm4b:s1+s3], $0x80, v22, vm0, $0xb8;
	[tilespmem:$0xDD00] =	vst v63  }
0x11c: {  	v38 =	vperm.xlane v21, v6;
	v22 =	vadd.s32 v3, v37;
	s16 =	simm.s32 $0x3180  }
0x11d: {  	[tilespmem:s16], [sflag:$0x1] =	stream.indirect_vreg.gather [hbm4b:s1+s3], $0x80, v23, vm0, $0xb8;
	[tilespmem:$0xDD00] =	vst v63  }
0x11e: {  	v39 =	vperm.xlane v21, v7;
	v23 =	vadd.s32 v3, v38;
	s16 =	simm.s32 $0x3200  }
0x11f: {  	[tilespmem:s16], [sflag:$0x1] =	stream.indirect_vreg.gather [hbm4b:s1+s3], $0x80, v24, vm0, $0xb8;
	[tilespmem:$0xDD00] =	vst v63  }
0x120: {  	v41 =	vperm.xlane v21, v8;
	v40 =	vadd.s32 v3, v39;
	s16 =	simm.s32 $0x3280  }
0x121: {  	[tilespmem:s16], [sflag:$0x1] =	stream.indirect_vreg.gather [hbm4b:s1+s3], $0x80, v22, vm0, $0xb8;
	[tilespmem:$0xDD00] =	vst v63  }
0x122: {  	v42 =	vperm.xlane v21, v1;
	v22 =	vadd.s32 v3, v41;
	s16 =	simm.s32 $0x3300  }
0x123: {  	[tilespmem:s16], [sflag:$0x1] =	stream.indirect_vreg.gather [hbm4b:s1+s3], $0x80, v23, vm0, $0xb8;
	[tilespmem:$0xDD00] =	vst v63  }
0x124: {  	v43 =	vperm.xlane v21, v9;
	v23 =	vadd.s32 v3, v42;
	s16 =	simm.s32 $0x3380  }
0x125: {  	[tilespmem:s16], [sflag:$0x1] =	stream.indirect_vreg.gather [hbm4b:s1+s3], $0x80, v40, vm0, $0xb8;
	[tilespmem:$0xDD00] =	vst v63  }
0x126: {  	v45 =	vperm.xlane v21, v10;
	v44 =	vadd.s32 v3, v43;
	s16 =	simm.s32 $0x3400  }
0x127: {  	[tilespmem:s16], [sflag:$0x1] =	stream.indirect_vreg.gather [hbm4b:s1+s3], $0x80, v22, vm0, $0xb8;
	[tilespmem:$0xDD00] =	vst v63  }
0x128: {  	v46 =	vperm.xlane v21, v11;
	v22 =	vadd.s32 v3, v45;
	s16 =	simm.s32 $0x3480  }
0x129: {  	[tilespmem:s16], [sflag:$0x1] =	stream.indirect_vreg.gather [hbm4b:s1+s3], $0x80, v23, vm0, $0xb8;
	[tilespmem:$0xDD00] =	vst v63  }
0x12a: {  	v47 =	vperm.xlane v21, v12;
	v23 =	vadd.s32 v3, v46;
	s16 =	simm.s32 $0x3500  }
0x12b: {  	[tilespmem:s16], [sflag:$0x1] =	stream.indirect_vreg.gather [hbm4b:s1+s3], $0x80, v44, vm0, $0xb8;
	[tilespmem:$0xDD00] =	vst v63  }
0x12c: {  	v49 =	vperm.xlane v21, v13;
	v48 =	vadd.s32 v3, v47;
	s16 =	simm.s32 $0x3580  }
0x12d: {  	[tilespmem:s16], [sflag:$0x1] =	stream.indirect_vreg.gather [hbm4b:s1+s3], $0x80, v22, vm0, $0xb8;
	[tilespmem:$0xDD00] =	vst v63  }
0x12e: {  	v50 =	vperm.xlane v21, v14;
	v22 =	vadd.s32 v3, v49;
	s16 =	simm.s32 $0x3600  }
0x12f: {  	[tilespmem:s16], [sflag:$0x1] =	stream.indirect_vreg.gather [hbm4b:s1+s3], $0x80, v23, vm0, $0xb8;
	[tilespmem:$0xDD00] =	vst v63  }
0x130: {  	v51 =	vperm.xlane v21, v15;
	v23 =	vadd.s32 v3, v50;
	s16 =	simm.s32 $0x3680  }
0x131: {  	[tilespmem:s16], [sflag:$0x1] =	stream.indirect_vreg.gather [hbm4b:s1+s3], $0x80, v48, vm0, $0xb8;
	[tilespmem:$0xDD00] =	vst v63  }
0x132: {  	v21 =	vperm.xlane v21, v16;
	v52 =	vadd.s32 v3, v51;
	s16 =	simm.s32 $0x3700  }
0x133: {  	[tilespmem:s16], [sflag:$0x1] =	stream.indirect_vreg.gather [hbm4b:s1+s3], $0x80, v22, vm0, $0xb8;
	[tilespmem:$0xDD00] =	vst v63  }
0x134: {  	v21 =	vadd.s32 v3, v21;
	s16 =	simm.s32 $0x3780  }
0x135: {  	[tilespmem:s16], [sflag:$0x1] =	stream.indirect_vreg.gather [hbm4b:s1+s3], $0x80, v23, vm0, $0xb8;
	[tilespmem:$0xDD00] =	vst v63  }
0x136: {  	s16 =	simm.s32 $0x3800  }
0x137: {  	[tilespmem:s16], [sflag:$0x1] =	stream.indirect_vreg.gather [hbm4b:s1+s3], $0x80, v52, vm0, $0xb8;
	[tilespmem:$0xDD00] =	vst v63  }
0x138: {  	s16 =	simm.s32 $0x3880  }
0x139: {  	[tilespmem:s16], [sflag:$0x1] =	stream.indirect_vreg.gather [hbm4b:s1+s3], $0x80, v21, vm0, $0xb8;
	[tilespmem:$0xDD00] =	vst v63  }
0x13a: {  	v21 =	vld [tilespmem:$0x70];
	_ =	sdelay $0x4  }
0x13b: {  	v22 =	vshrl.u32 v21, $0x3  }
0x13c: {  	v22 =	vmul.u32 $0x18, v22  }
0x13d: {  	v21 =	vand.u32 $0x7, v21  }
0x13e: {  	v21 =	vor.u32 v21, v22  }
0x13f: {  	v22 =	vperm.xlane v21, v2;
	_ =	sdelay $0x1  }
0x140: {  	v23 =	vperm.xlane v21, v4;
	v22 =	vadd.s32 v3, v22;
	_ =	sdelay $0x1  }
0x141: {  	v53 =	vperm.xlane v21, v5;
	v23 =	vadd.s32 v3, v23;
	_ =	sdelay $0x1  }
0x142: {  	s16 =	simm.s32 $0x3900;
	v54 =	vperm.xlane v21, v0;
	v24 =	vadd.s32 v3, v53  }
0x143: {  	[tilespmem:s16], [sflag:$0x1] =	stream.indirect_vreg.gather [hbm4b:s1+s3], $0x80, v22, vm0, $0xb8;
	[tilespmem:$0xDD00] =	vst v63  }
0x144: {  	v55 =	vperm.xlane v21, v6;
	v22 =	vadd.s32 v3, v54;
	s16 =	simm.s32 $0x3980  }
0x145: {  	[tilespmem:s16], [sflag:$0x1] =	stream.indirect_vreg.gather [hbm4b:s1+s3], $0x80, v23, vm0, $0xb8;
	[tilespmem:$0xDD00] =	vst v63  }
0x146: {  	v56 =	vperm.xlane v21, v7;
	v23 =	vadd.s32 v3, v55;
	s16 =	simm.s32 $0x3A00  }
0x147: {  	[tilespmem:s16], [sflag:$0x1] =	stream.indirect_vreg.gather [hbm4b:s1+s3], $0x80, v24, vm0, $0xb8;
	[tilespmem:$0xDD00] =	vst v63  }
0x148: {  	v58 =	vperm.xlane v21, v8;
	v57 =	vadd.s32 v3, v56;
	s16 =	simm.s32 $0x3A80  }
0x149: {  	[tilespmem:s16], [sflag:$0x1] =	stream.indirect_vreg.gather [hbm4b:s1+s3], $0x80, v22, vm0, $0xb8;
	[tilespmem:$0xDD00] =	vst v63  }
0x14a: {  	v59 =	vperm.xlane v21, v1;
	v22 =	vadd.s32 v3, v58;
	s16 =	simm.s32 $0x3B00  }
0x14b: {  	[tilespmem:s16], [sflag:$0x1] =	stream.indirect_vreg.gather [hbm4b:s1+s3], $0x80, v23, vm0, $0xb8;
	[tilespmem:$0xDD00] =	vst v63  }
0x14c: {  	v60 =	vperm.xlane v21, v9;
	v23 =	vadd.s32 v3, v59;
	s16 =	simm.s32 $0x3B80  }
0x14d: {  	[tilespmem:s16], [sflag:$0x1] =	stream.indirect_vreg.gather [hbm4b:s1+s3], $0x80, v57, vm0, $0xb8;
	[tilespmem:$0xDD00] =	vst v63  }
0x14e: {  	v62 =	vperm.xlane v21, v10;
	v61 =	vadd.s32 v3, v60;
	s16 =	simm.s32 $0x3C00  }
0x14f: {  	[tilespmem:s16], [sflag:$0x1] =	stream.indirect_vreg.gather [hbm4b:s1+s3], $0x80, v22, vm0, $0xb8;
	[tilespmem:$0xDD00] =	vst v63  }
0x150: {  	v63 =	vperm.xlane v21, v11;
	v22 =	vadd.s32 v3, v62;
	s16 =	simm.s32 $0x3C80  }
0x151: {  	[tilespmem:s16], [sflag:$0x1] =	stream.indirect_vreg.gather [hbm4b:s1+s3], $0x80, v23, vm0, $0xb8;
	[tilespmem:$0xDD00] =	vst v63  }
0x152: {  	v28 =	vperm.xlane v21, v12;
	v23 =	vadd.s32 v3, v63;
	s16 =	simm.s32 $0x3D00  }
0x153: {  	[tilespmem:s16], [sflag:$0x1] =	stream.indirect_vreg.gather [hbm4b:s1+s3], $0x80, v61, vm0, $0xb8;
	[tilespmem:$0xDD00] =	vst v63  }
0x154: {  	v30 =	vperm.xlane v21, v13;
	v29 =	vadd.s32 v3, v28;
	s16 =	simm.s32 $0x3D80  }
0x155: {  	[tilespmem:s16], [sflag:$0x1] =	stream.indirect_vreg.gather [hbm4b:s1+s3], $0x80, v22, vm0, $0xb8;
	[tilespmem:$0xDD00] =	vst v63  }
0x156: {  	v31 =	vperm.xlane v21, v14;
	v22 =	vadd.s32 v3, v30;
	s16 =	simm.s32 $0x3E00  }
0x157: {  	[tilespmem:s16], [sflag:$0x1] =	stream.indirect_vreg.gather [hbm4b:s1+s3], $0x80, v23, vm0, $0xb8;
	[tilespmem:$0xDD00] =	vst v63  }
0x158: {  	v32 =	vperm.xlane v21, v15;
	v23 =	vadd.s32 v3, v31;
	s16 =	simm.s32 $0x3E80  }
0x159: {  	[tilespmem:s16], [sflag:$0x1] =	stream.indirect_vreg.gather [hbm4b:s1+s3], $0x80, v29, vm0, $0xb8;
	[tilespmem:$0xDD00] =	vst v63  }
0x15a: {  	v21 =	vperm.xlane v21, v16;
	v33 =	vadd.s32 v3, v32;
	s16 =	simm.s32 $0x3F00  }
0x15b: {  	[tilespmem:s16], [sflag:$0x1] =	stream.indirect_vreg.gather [hbm4b:s1+s3], $0x80, v22, vm0, $0xb8;
	[tilespmem:$0xDD00] =	vst v63  }
0x15c: {  	v21 =	vadd.s32 v3, v21;
	s16 =	simm.s32 $0x3F80  }
0x15d: {  	[tilespmem:s16], [sflag:$0x1] =	stream.indirect_vreg.gather [hbm4b:s1+s3], $0x80, v23, vm0, $0xb8;
	[tilespmem:$0xDD00] =	vst v63  }
0x15e: {  	s16 =	simm.s32 $0x4000  }
0x15f: {  	[tilespmem:s16], [sflag:$0x1] =	stream.indirect_vreg.gather [hbm4b:s1+s3], $0x80, v33, vm0, $0xb8;
	[tilespmem:$0xDD00] =	vst v63  }
0x160: {  	s16 =	simm.s32 $0x4080  }
0x161: {  	[tilespmem:s16], [sflag:$0x1] =	stream.indirect_vreg.gather [hbm4b:s1+s3], $0x80, v21, vm0, $0xb8;
	[tilespmem:$0xDD00] =	vst v63  }
0x162: {  	v21 =	vld [tilespmem:$0x0];
	_ =	sdelay $0x4  }
0x163: {  	v22 =	vshrl.u32 v21, $0x3  }
0x164: {  	v22 =	vmul.u32 $0x18, v22  }
0x165: {  	v21 =	vand.u32 $0x7, v21  }
0x166: {  	v21 =	vor.u32 v21, v22  }
0x167: {  	v22 =	vperm.xlane v21, v2;
	_ =	sdelay $0x1  }
0x168: {  	v23 =	vperm.xlane v21, v4;
	v22 =	vadd.s32 v3, v22;
	_ =	sdelay $0x1  }
0x169: {  	v34 =	vperm.xlane v21, v5;
	v23 =	vadd.s32 v3, v23;
	_ =	sdelay $0x1  }
0x16a: {  	v35 =	vperm.xlane v21, v0;
	v24 =	vadd.s32 v3, v34  }
0x16b: {  	[tilespmem:s7], [sflag:$0x2] =	stream.indirect_vreg.gather [hbm4b:s10+s3], $0x80, v22, vm0, $0xb8;
	[tilespmem:$0xDD00] =	vst v63  }
0x16c: {  	s16 =	simm.s32 $0x4180;
	v36 =	vperm.xlane v21, v6;
	v22 =	vadd.s32 v3, v35  }
0x16d: {  	[tilespmem:s16], [sflag:$0x2] =	stream.indirect_vreg.gather [hbm4b:s10+s3], $0x80, v23, vm0, $0xb8;
	[tilespmem:$0xDD00] =	vst v63  }
0x16e: {  	v37 =	vperm.xlane v21, v7;
	v23 =	vadd.s32 v3, v36;
	s16 =	simm.s32 $0x4200  }
0x16f: {  	[tilespmem:s16], [sflag:$0x2] =	stream.indirect_vreg.gather [hbm4b:s10+s3], $0x80, v24, vm0, $0xb8;
	[tilespmem:$0xDD00] =	vst v63  }
0x170: {  	v39 =	vperm.xlane v21, v8;
	v38 =	vadd.s32 v3, v37;
	s16 =	simm.s32 $0x4280  }
0x171: {  	[tilespmem:s16], [sflag:$0x2] =	stream.indirect_vreg.gather [hbm4b:s10+s3], $0x80, v22, vm0, $0xb8;
	[tilespmem:$0xDD00] =	vst v63  }
0x172: {  	v40 =	vperm.xlane v21, v1;
	v22 =	vadd.s32 v3, v39;
	s16 =	simm.s32 $0x4300  }
0x173: {  	[tilespmem:s16], [sflag:$0x2] =	stream.indirect_vreg.gather [hbm4b:s10+s3], $0x80, v23, vm0, $0xb8;
	[tilespmem:$0xDD00] =	vst v63  }
0x174: {  	v41 =	vperm.xlane v21, v9;
	v23 =	vadd.s32 v3, v40;
	s16 =	simm.s32 $0x4380  }
0x175: {  	[tilespmem:s16], [sflag:$0x2] =	stream.indirect_vreg.gather [hbm4b:s10+s3], $0x80, v38, vm0, $0xb8;
	[tilespmem:$0xDD00] =	vst v63  }
0x176: {  	v43 =	vperm.xlane v21, v10;
	v42 =	vadd.s32 v3, v41;
	s16 =	simm.s32 $0x4400  }
0x177: {  	[tilespmem:s16], [sflag:$0x2] =	stream.indirect_vreg.gather [hbm4b:s10+s3], $0x80, v22, vm0, $0xb8;
	[tilespmem:$0xDD00] =	vst v63  }
0x178: {  	v44 =	vperm.xlane v21, v11;
	v22 =	vadd.s32 v3, v43;
	s16 =	simm.s32 $0x4480  }
0x179: {  	[tilespmem:s16], [sflag:$0x2] =	stream.indirect_vreg.gather [hbm4b:s10+s3], $0x80, v23, vm0, $0xb8;
	[tilespmem:$0xDD00] =	vst v63  }
0x17a: {  	v45 =	vperm.xlane v21, v12;
	v23 =	vadd.s32 v3, v44;
	s16 =	simm.s32 $0x4500  }
0x17b: {  	[tilespmem:s16], [sflag:$0x2] =	stream.indirect_vreg.gather [hbm4b:s10+s3], $0x80, v42, vm0, $0xb8;
	[tilespmem:$0xDD00] =	vst v63  }
0x17c: {  	v47 =	vperm.xlane v21, v13;
	v46 =	vadd.s32 v3, v45;
	s16 =	simm.s32 $0x4580  }
0x17d: {  	[tilespmem:s16], [sflag:$0x2] =	stream.indirect_vreg.gather [hbm4b:s10+s3], $0x80, v22, vm0, $0xb8;
	[tilespmem:$0xDD00] =	vst v63  }
0x17e: {  	v48 =	vperm.xlane v21, v14;
	v22 =	vadd.s32 v3, v47;
	s16 =	simm.s32 $0x4600  }
0x17f: {  	[tilespmem:s16], [sflag:$0x2] =	stream.indirect_vreg.gather [hbm4b:s10+s3], $0x80, v23, vm0, $0xb8;
	[tilespmem:$0xDD00] =	vst v63  }
0x180: {  	v49 =	vperm.xlane v21, v15;
	v23 =	vadd.s32 v3, v48;
	s16 =	simm.s32 $0x4680  }
0x181: {  	[tilespmem:s16], [sflag:$0x2] =	stream.indirect_vreg.gather [hbm4b:s10+s3], $0x80, v46, vm0, $0xb8;
	[tilespmem:$0xDD00] =	vst v63  }
0x182: {  	v21 =	vperm.xlane v21, v16;
	v50 =	vadd.s32 v3, v49;
	s16 =	simm.s32 $0x4700  }
0x183: {  	[tilespmem:s16], [sflag:$0x2] =	stream.indirect_vreg.gather [hbm4b:s10+s3], $0x80, v22, vm0, $0xb8;
	[tilespmem:$0xDD00] =	vst v63  }
0x184: {  	v21 =	vadd.s32 v3, v21;
	s16 =	simm.s32 $0x4780  }
0x185: {  	[tilespmem:s16], [sflag:$0x2] =	stream.indirect_vreg.gather [hbm4b:s10+s3], $0x80, v23, vm0, $0xb8;
	[tilespmem:$0xDD00] =	vst v63  }
0x186: {  	s16 =	simm.s32 $0x4800  }
0x187: {  	[tilespmem:s16], [sflag:$0x2] =	stream.indirect_vreg.gather [hbm4b:s10+s3], $0x80, v50, vm0, $0xb8;
	[tilespmem:$0xDD00] =	vst v63  }
0x188: {  	s16 =	simm.s32 $0x4880  }
0x189: {  	[tilespmem:s16], [sflag:$0x2] =	stream.indirect_vreg.gather [hbm4b:s10+s3], $0x80, v21, vm0, $0xb8;
	[tilespmem:$0xDD00] =	vst v63  }
0x18a: {  	v21 =	vld [tilespmem:$0x10];
	_ =	sdelay $0x4  }
0x18b: {  	v22 =	vshrl.u32 v21, $0x3  }
0x18c: {  	v22 =	vmul.u32 $0x18, v22  }
0x18d: {  	v21 =	vand.u32 $0x7, v21  }
0x18e: {  	v21 =	vor.u32 v21, v22  }
0x18f: {  	v22 =	vperm.xlane v21, v2;
	_ =	sdelay $0x1  }
0x190: {  	v23 =	vperm.xlane v21, v4;
	v22 =	vadd.s32 v3, v22;
	_ =	sdelay $0x1  }
0x191: {  	v51 =	vperm.xlane v21, v5;
	v23 =	vadd.s32 v3, v23;
	_ =	sdelay $0x1  }
0x192: {  	s16 =	simm.s32 $0x4900;
	v52 =	vperm.xlane v21, v0;
	v24 =	vadd.s32 v3, v51  }
0x193: {  	[tilespmem:s16], [sflag:$0x2] =	stream.indirect_vreg.gather [hbm4b:s10+s3], $0x80, v22, vm0, $0xb8;
	[tilespmem:$0xDD00] =	vst v63  }
0x194: {  	v53 =	vperm.xlane v21, v6;
	v22 =	vadd.s32 v3, v52;
	s16 =	simm.s32 $0x4980  }
0x195: {  	[tilespmem:s16], [sflag:$0x2] =	stream.indirect_vreg.gather [hbm4b:s10+s3], $0x80, v23, vm0, $0xb8;
	[tilespmem:$0xDD00] =	vst v63  }
0x196: {  	v54 =	vperm.xlane v21, v7;
	v23 =	vadd.s32 v3, v53;
	s16 =	simm.s32 $0x4A00  }
0x197: {  	[tilespmem:s16], [sflag:$0x2] =	stream.indirect_vreg.gather [hbm4b:s10+s3], $0x80, v24, vm0, $0xb8;
	[tilespmem:$0xDD00] =	vst v63  }
0x198: {  	v56 =	vperm.xlane v21, v8;
	v55 =	vadd.s32 v3, v54;
	s16 =	simm.s32 $0x4A80  }
0x199: {  	[tilespmem:s16], [sflag:$0x2] =	stream.indirect_vreg.gather [hbm4b:s10+s3], $0x80, v22, vm0, $0xb8;
	[tilespmem:$0xDD00] =	vst v63  }
0x19a: {  	v57 =	vperm.xlane v21, v1;
	v22 =	vadd.s32 v3, v56;
	s16 =	simm.s32 $0x4B00  }
0x19b: {  	[tilespmem:s16], [sflag:$0x2] =	stream.indirect_vreg.gather [hbm4b:s10+s3], $0x80, v23, vm0, $0xb8;
	[tilespmem:$0xDD00] =	vst v63  }
0x19c: {  	v58 =	vperm.xlane v21, v9;
	v23 =	vadd.s32 v3, v57;
	s16 =	simm.s32 $0x4B80  }
0x19d: {  	[tilespmem:s16], [sflag:$0x2] =	stream.indirect_vreg.gather [hbm4b:s10+s3], $0x80, v55, vm0, $0xb8;
	[tilespmem:$0xDD00] =	vst v63  }
0x19e: {  	v60 =	vperm.xlane v21, v10;
	v59 =	vadd.s32 v3, v58;
	s16 =	simm.s32 $0x4C00  }
0x19f: {  	[tilespmem:s16], [sflag:$0x2] =	stream.indirect_vreg.gather [hbm4b:s10+s3], $0x80, v22, vm0, $0xb8;
	[tilespmem:$0xDD00] =	vst v63  }
0x1a0: {  	v61 =	vperm.xlane v21, v11;
	v22 =	vadd.s32 v3, v60;
	s16 =	simm.s32 $0x4C80  }
0x1a1: {  	[tilespmem:s16], [sflag:$0x2] =	stream.indirect_vreg.gather [hbm4b:s10+s3], $0x80, v23, vm0, $0xb8;
	[tilespmem:$0xDD00] =	vst v63  }
0x1a2: {  	v62 =	vperm.xlane v21, v12;
	v23 =	vadd.s32 v3, v61;
	s16 =	simm.s32 $0x4D00  }
0x1a3: {  	[tilespmem:s16], [sflag:$0x2] =	stream.indirect_vreg.gather [hbm4b:s10+s3], $0x80, v59, vm0, $0xb8;
	[tilespmem:$0xDD00] =	vst v63  }
0x1a4: {  	v28 =	vperm.xlane v21, v13;
	v63 =	vadd.s32 v3, v62;
	s16 =	simm.s32 $0x4D80  }
0x1a5: {  	[tilespmem:s16], [sflag:$0x2] =	stream.indirect_vreg.gather [hbm4b:s10+s3], $0x80, v22, vm0, $0xb8;
	[tilespmem:$0xDD00] =	vst v63  }
0x1a6: {  	v29 =	vperm.xlane v21, v14;
	v22 =	vadd.s32 v3, v28;
	s16 =	simm.s32 $0x4E00  }
0x1a7: {  	[tilespmem:s16], [sflag:$0x2] =	stream.indirect_vreg.gather [hbm4b:s10+s3], $0x80, v23, vm0, $0xb8;
	[tilespmem:$0xDD00] =	vst v63  }
0x1a8: {  	v30 =	vperm.xlane v21, v15;
	v23 =	vadd.s32 v3, v29;
	s16 =	simm.s32 $0x4E80  }
0x1a9: {  	[tilespmem:s16], [sflag:$0x2] =	stream.indirect_vreg.gather [hbm4b:s10+s3], $0x80, v63, vm0, $0xb8;
	[tilespmem:$0xDD00] =	vst v63  }
0x1aa: {  	v21 =	vperm.xlane v21, v16;
	v31 =	vadd.s32 v3, v30;
	s16 =	simm.s32 $0x4F00  }
0x1ab: {  	[tilespmem:s16], [sflag:$0x2] =	stream.indirect_vreg.gather [hbm4b:s10+s3], $0x80, v22, vm0, $0xb8;
	[tilespmem:$0xDD00] =	vst v63  }
0x1ac: {  	v21 =	vadd.s32 v3, v21;
	s16 =	simm.s32 $0x4F80  }
0x1ad: {  	[tilespmem:s16], [sflag:$0x2] =	stream.indirect_vreg.gather [hbm4b:s10+s3], $0x80, v23, vm0, $0xb8;
	[tilespmem:$0xDD00] =	vst v63  }
0x1ae: {  	s16 =	simm.s32 $0x5000  }
0x1af: {  	[tilespmem:s16], [sflag:$0x2] =	stream.indirect_vreg.gather [hbm4b:s10+s3], $0x80, v31, vm0, $0xb8;
	[tilespmem:$0xDD00] =	vst v63  }
0x1b0: {  	s16 =	simm.s32 $0x5080  }
0x1b1: {  	[tilespmem:s16], [sflag:$0x2] =	stream.indirect_vreg.gather [hbm4b:s10+s3], $0x80, v21, vm0, $0xb8;
	[tilespmem:$0xDD00] =	vst v63  }
0x1b2: {  	v21 =	vld [tilespmem:$0x20];
	_ =	sdelay $0x4  }
0x1b3: {  	v22 =	vshrl.u32 v21, $0x3  }
0x1b4: {  	v22 =	vmul.u32 $0x18, v22  }
0x1b5: {  	v21 =	vand.u32 $0x7, v21  }
0x1b6: {  	v21 =	vor.u32 v21, v22  }
0x1b7: {  	v22 =	vperm.xlane v21, v2;
	_ =	sdelay $0x1  }
0x1b8: {  	v23 =	vperm.xlane v21, v4;
	v22 =	vadd.s32 v3, v22;
	_ =	sdelay $0x1  }
0x1b9: {  	v32 =	vperm.xlane v21, v5;
	v23 =	vadd.s32 v3, v23;
	_ =	sdelay $0x1  }
0x1ba: {  	s16 =	simm.s32 $0x5100;
	v33 =	vperm.xlane v21, v0;
	v24 =	vadd.s32 v3, v32  }
0x1bb: {  	[tilespmem:s16], [sflag:$0x2] =	stream.indirect_vreg.gather [hbm4b:s10+s3], $0x80, v22, vm0, $0xb8;
	[tilespmem:$0xDD00] =	vst v63  }
0x1bc: {  	v34 =	vperm.xlane v21, v6;
	v22 =	vadd.s32 v3, v33;
	s16 =	simm.s32 $0x5180  }
0x1bd: {  	[tilespmem:s16], [sflag:$0x2] =	stream.indirect_vreg.gather [hbm4b:s10+s3], $0x80, v23, vm0, $0xb8;
	[tilespmem:$0xDD00] =	vst v63  }
0x1be: {  	v35 =	vperm.xlane v21, v7;
	v23 =	vadd.s32 v3, v34;
	s16 =	simm.s32 $0x5200  }
0x1bf: {  	[tilespmem:s16], [sflag:$0x2] =	stream.indirect_vreg.gather [hbm4b:s10+s3], $0x80, v24, vm0, $0xb8;
	[tilespmem:$0xDD00] =	vst v63  }
0x1c0: {  	v37 =	vperm.xlane v21, v8;
	v36 =	vadd.s32 v3, v35;
	s16 =	simm.s32 $0x5280  }
0x1c1: {  	[tilespmem:s16], [sflag:$0x2] =	stream.indirect_vreg.gather [hbm4b:s10+s3], $0x80, v22, vm0, $0xb8;
	[tilespmem:$0xDD00] =	vst v63  }
0x1c2: {  	v38 =	vperm.xlane v21, v1;
	v22 =	vadd.s32 v3, v37;
	s16 =	simm.s32 $0x5300  }
0x1c3: {  	[tilespmem:s16], [sflag:$0x2] =	stream.indirect_vreg.gather [hbm4b:s10+s3], $0x80, v23, vm0, $0xb8;
	[tilespmem:$0xDD00] =	vst v63  }
0x1c4: {  	v39 =	vperm.xlane v21, v9;
	v23 =	vadd.s32 v3, v38;
	s16 =	simm.s32 $0x5380  }
0x1c5: {  	[tilespmem:s16], [sflag:$0x2] =	stream.indirect_vreg.gather [hbm4b:s10+s3], $0x80, v36, vm0, $0xb8;
	[tilespmem:$0xDD00] =	vst v63  }
0x1c6: {  	v41 =	vperm.xlane v21, v10;
	v40 =	vadd.s32 v3, v39;
	s16 =	simm.s32 $0x5400  }
0x1c7: {  	[tilespmem:s16], [sflag:$0x2] =	stream.indirect_vreg.gather [hbm4b:s10+s3], $0x80, v22, vm0, $0xb8;
	[tilespmem:$0xDD00] =	vst v63  }
0x1c8: {  	v42 =	vperm.xlane v21, v11;
	v22 =	vadd.s32 v3, v41;
	s16 =	simm.s32 $0x5480  }
0x1c9: {  	[tilespmem:s16], [sflag:$0x2] =	stream.indirect_vreg.gather [hbm4b:s10+s3], $0x80, v23, vm0, $0xb8;
	[tilespmem:$0xDD00] =	vst v63  }
0x1ca: {  	v43 =	vperm.xlane v21, v12;
	v23 =	vadd.s32 v3, v42;
	s16 =	simm.s32 $0x5500  }
0x1cb: {  	[tilespmem:s16], [sflag:$0x2] =	stream.indirect_vreg.gather [hbm4b:s10+s3], $0x80, v40, vm0, $0xb8;
	[tilespmem:$0xDD00] =	vst v63  }
0x1cc: {  	v45 =	vperm.xlane v21, v13;
	v44 =	vadd.s32 v3, v43;
	s16 =	simm.s32 $0x5580  }
0x1cd: {  	[tilespmem:s16], [sflag:$0x2] =	stream.indirect_vreg.gather [hbm4b:s10+s3], $0x80, v22, vm0, $0xb8;
	[tilespmem:$0xDD00] =	vst v63  }
0x1ce: {  	v46 =	vperm.xlane v21, v14;
	v22 =	vadd.s32 v3, v45;
	s16 =	simm.s32 $0x5600  }
0x1cf: {  	[tilespmem:s16], [sflag:$0x2] =	stream.indirect_vreg.gather [hbm4b:s10+s3], $0x80, v23, vm0, $0xb8;
	[tilespmem:$0xDD00] =	vst v63  }
0x1d0: {  	v47 =	vperm.xlane v21, v15;
	v23 =	vadd.s32 v3, v46;
	s16 =	simm.s32 $0x5680  }
0x1d1: {  	[tilespmem:s16], [sflag:$0x2] =	stream.indirect_vreg.gather [hbm4b:s10+s3], $0x80, v44, vm0, $0xb8;
	[tilespmem:$0xDD00] =	vst v63  }
0x1d2: {  	v21 =	vperm.xlane v21, v16;
	v48 =	vadd.s32 v3, v47;
	s16 =	simm.s32 $0x5700  }
0x1d3: {  	[tilespmem:s16], [sflag:$0x2] =	stream.indirect_vreg.gather [hbm4b:s10+s3], $0x80, v22, vm0, $0xb8;
	[tilespmem:$0xDD00] =	vst v63  }
0x1d4: {  	v21 =	vadd.s32 v3, v21;
	s16 =	simm.s32 $0x5780  }
0x1d5: {  	[tilespmem:s16], [sflag:$0x2] =	stream.indirect_vreg.gather [hbm4b:s10+s3], $0x80, v23, vm0, $0xb8;
	[tilespmem:$0xDD00] =	vst v63  }
0x1d6: {  	s16 =	simm.s32 $0x5800  }
0x1d7: {  	[tilespmem:s16], [sflag:$0x2] =	stream.indirect_vreg.gather [hbm4b:s10+s3], $0x80, v48, vm0, $0xb8;
	[tilespmem:$0xDD00] =	vst v63  }
0x1d8: {  	s16 =	simm.s32 $0x5880  }
0x1d9: {  	[tilespmem:s16], [sflag:$0x2] =	stream.indirect_vreg.gather [hbm4b:s10+s3], $0x80, v21, vm0, $0xb8;
	[tilespmem:$0xDD00] =	vst v63  }
0x1da: {  	v21 =	vld [tilespmem:$0x30];
	_ =	sdelay $0x4  }
0x1db: {  	v22 =	vshrl.u32 v21, $0x3  }
0x1dc: {  	v22 =	vmul.u32 $0x18, v22  }
0x1dd: {  	v21 =	vand.u32 $0x7, v21  }
0x1de: {  	v21 =	vor.u32 v21, v22  }
0x1df: {  	v22 =	vperm.xlane v21, v2;
	_ =	sdelay $0x1  }
0x1e0: {  	v23 =	vperm.xlane v21, v4;
	v22 =	vadd.s32 v3, v22;
	_ =	sdelay $0x1  }
0x1e1: {  	v49 =	vperm.xlane v21, v5;
	v23 =	vadd.s32 v3, v23;
	_ =	sdelay $0x1  }
0x1e2: {  	s16 =	simm.s32 $0x5900;
	v50 =	vperm.xlane v21, v0;
	v24 =	vadd.s32 v3, v49  }
0x1e3: {  	[tilespmem:s16], [sflag:$0x2] =	stream.indirect_vreg.gather [hbm4b:s10+s3], $0x80, v22, vm0, $0xb8;
	[tilespmem:$0xDD00] =	vst v63  }
0x1e4: {  	v51 =	vperm.xlane v21, v6;
	v22 =	vadd.s32 v3, v50;
	s16 =	simm.s32 $0x5980  }
0x1e5: {  	[tilespmem:s16], [sflag:$0x2] =	stream.indirect_vreg.gather [hbm4b:s10+s3], $0x80, v23, vm0, $0xb8;
	[tilespmem:$0xDD00] =	vst v63  }
0x1e6: {  	v52 =	vperm.xlane v21, v7;
	v23 =	vadd.s32 v3, v51;
	s16 =	simm.s32 $0x5A00  }
0x1e7: {  	[tilespmem:s16], [sflag:$0x2] =	stream.indirect_vreg.gather [hbm4b:s10+s3], $0x80, v24, vm0, $0xb8;
	[tilespmem:$0xDD00] =	vst v63  }
0x1e8: {  	v54 =	vperm.xlane v21, v8;
	v53 =	vadd.s32 v3, v52;
	s16 =	simm.s32 $0x5A80  }
0x1e9: {  	[tilespmem:s16], [sflag:$0x2] =	stream.indirect_vreg.gather [hbm4b:s10+s3], $0x80, v22, vm0, $0xb8;
	[tilespmem:$0xDD00] =	vst v63  }
0x1ea: {  	v55 =	vperm.xlane v21, v1;
	v22 =	vadd.s32 v3, v54;
	s16 =	simm.s32 $0x5B00  }
0x1eb: {  	[tilespmem:s16], [sflag:$0x2] =	stream.indirect_vreg.gather [hbm4b:s10+s3], $0x80, v23, vm0, $0xb8;
	[tilespmem:$0xDD00] =	vst v63  }
0x1ec: {  	v56 =	vperm.xlane v21, v9;
	v23 =	vadd.s32 v3, v55;
	s16 =	simm.s32 $0x5B80  }
0x1ed: {  	[tilespmem:s16], [sflag:$0x2] =	stream.indirect_vreg.gather [hbm4b:s10+s3], $0x80, v53, vm0, $0xb8;
	[tilespmem:$0xDD00] =	vst v63  }
0x1ee: {  	v58 =	vperm.xlane v21, v10;
	v57 =	vadd.s32 v3, v56;
	s16 =	simm.s32 $0x5C00  }
0x1ef: {  	[tilespmem:s16], [sflag:$0x2] =	stream.indirect_vreg.gather [hbm4b:s10+s3], $0x80, v22, vm0, $0xb8;
	[tilespmem:$0xDD00] =	vst v63  }
0x1f0: {  	v59 =	vperm.xlane v21, v11;
	v22 =	vadd.s32 v3, v58;
	s16 =	simm.s32 $0x5C80  }
0x1f1: {  	[tilespmem:s16], [sflag:$0x2] =	stream.indirect_vreg.gather [hbm4b:s10+s3], $0x80, v23, vm0, $0xb8;
	[tilespmem:$0xDD00] =	vst v63  }
0x1f2: {  	v60 =	vperm.xlane v21, v12;
	v23 =	vadd.s32 v3, v59;
	s16 =	simm.s32 $0x5D00  }
0x1f3: {  	[tilespmem:s16], [sflag:$0x2] =	stream.indirect_vreg.gather [hbm4b:s10+s3], $0x80, v57, vm0, $0xb8;
	[tilespmem:$0xDD00] =	vst v63  }
0x1f4: {  	v62 =	vperm.xlane v21, v13;
	v61 =	vadd.s32 v3, v60;
	s16 =	simm.s32 $0x5D80  }
0x1f5: {  	[tilespmem:s16], [sflag:$0x2] =	stream.indirect_vreg.gather [hbm4b:s10+s3], $0x80, v22, vm0, $0xb8;
	[tilespmem:$0xDD00] =	vst v63  }
0x1f6: {  	v63 =	vperm.xlane v21, v14;
	v22 =	vadd.s32 v3, v62;
	s16 =	simm.s32 $0x5E00  }
0x1f7: {  	[tilespmem:s16], [sflag:$0x2] =	stream.indirect_vreg.gather [hbm4b:s10+s3], $0x80, v23, vm0, $0xb8;
	[tilespmem:$0xDD00] =	vst v63  }
0x1f8: {  	v28 =	vperm.xlane v21, v15;
	v23 =	vadd.s32 v3, v63;
	s16 =	simm.s32 $0x5E80  }
0x1f9: {  	[tilespmem:s16], [sflag:$0x2] =	stream.indirect_vreg.gather [hbm4b:s10+s3], $0x80, v61, vm0, $0xb8;
	[tilespmem:$0xDD00] =	vst v63  }
0x1fa: {  	v21 =	vperm.xlane v21, v16;
	v29 =	vadd.s32 v3, v28;
	s16 =	simm.s32 $0x5F00  }
0x1fb: {  	[tilespmem:s16], [sflag:$0x2] =	stream.indirect_vreg.gather [hbm4b:s10+s3], $0x80, v22, vm0, $0xb8;
	[tilespmem:$0xDD00] =	vst v63  }
0x1fc: {  	v21 =	vadd.s32 v3, v21;
	s16 =	simm.s32 $0x5F80  }
0x1fd: {  	[tilespmem:s16], [sflag:$0x2] =	stream.indirect_vreg.gather [hbm4b:s10+s3], $0x80, v23, vm0, $0xb8;
	[tilespmem:$0xDD00] =	vst v63  }
0x1fe: {  	s16 =	simm.s32 $0x6000  }
0x1ff: {  	[tilespmem:s16], [sflag:$0x2] =	stream.indirect_vreg.gather [hbm4b:s10+s3], $0x80, v29, vm0, $0xb8;
	[tilespmem:$0xDD00] =	vst v63  }
0x200: {  	s16 =	simm.s32 $0x6080  }
0x201: {  	[tilespmem:s16], [sflag:$0x2] =	stream.indirect_vreg.gather [hbm4b:s10+s3], $0x80, v21, vm0, $0xb8;
	[tilespmem:$0xDD00] =	vst v63  }
0x202: {  	v21 =	vld [tilespmem:$0x40];
	_ =	sdelay $0x4  }
0x203: {  	v22 =	vshrl.u32 v21, $0x3  }
0x204: {  	v22 =	vmul.u32 $0x18, v22  }
0x205: {  	v21 =	vand.u32 $0x7, v21  }
0x206: {  	v21 =	vor.u32 v21, v22  }
0x207: {  	v22 =	vperm.xlane v21, v2;
	_ =	sdelay $0x1  }
0x208: {  	v23 =	vperm.xlane v21, v4;
	v22 =	vadd.s32 v3, v22;
	_ =	sdelay $0x1  }
0x209: {  	v30 =	vperm.xlane v21, v5;
	v23 =	vadd.s32 v3, v23;
	_ =	sdelay $0x1  }
0x20a: {  	s16 =	simm.s32 $0x6100;
	v31 =	vperm.xlane v21, v0;
	v24 =	vadd.s32 v3, v30  }
0x20b: {  	[tilespmem:s16], [sflag:$0x2] =	stream.indirect_vreg.gather [hbm4b:s10+s3], $0x80, v22, vm0, $0xb8;
	[tilespmem:$0xDD00] =	vst v63  }
0x20c: {  	v32 =	vperm.xlane v21, v6;
	v22 =	vadd.s32 v3, v31;
	s16 =	simm.s32 $0x6180  }
0x20d: {  	[tilespmem:s16], [sflag:$0x2] =	stream.indirect_vreg.gather [hbm4b:s10+s3], $0x80, v23, vm0, $0xb8;
	[tilespmem:$0xDD00] =	vst v63  }
0x20e: {  	v33 =	vperm.xlane v21, v7;
	v23 =	vadd.s32 v3, v32;
	s16 =	simm.s32 $0x6200  }
0x20f: {  	[tilespmem:s16], [sflag:$0x2] =	stream.indirect_vreg.gather [hbm4b:s10+s3], $0x80, v24, vm0, $0xb8;
	[tilespmem:$0xDD00] =	vst v63  }
0x210: {  	v35 =	vperm.xlane v21, v8;
	v34 =	vadd.s32 v3, v33;
	s16 =	simm.s32 $0x6280  }
0x211: {  	[tilespmem:s16], [sflag:$0x2] =	stream.indirect_vreg.gather [hbm4b:s10+s3], $0x80, v22, vm0, $0xb8;
	[tilespmem:$0xDD00] =	vst v63  }
0x212: {  	v36 =	vperm.xlane v21, v1;
	v22 =	vadd.s32 v3, v35;
	s16 =	simm.s32 $0x6300  }
0x213: {  	[tilespmem:s16], [sflag:$0x2] =	stream.indirect_vreg.gather [hbm4b:s10+s3], $0x80, v23, vm0, $0xb8;
	[tilespmem:$0xDD00] =	vst v63  }
0x214: {  	v37 =	vperm.xlane v21, v9;
	v23 =	vadd.s32 v3, v36;
	s16 =	simm.s32 $0x6380  }
0x215: {  	[tilespmem:s16], [sflag:$0x2] =	stream.indirect_vreg.gather [hbm4b:s10+s3], $0x80, v34, vm0, $0xb8;
	[tilespmem:$0xDD00] =	vst v63  }
0x216: {  	v39 =	vperm.xlane v21, v10;
	v38 =	vadd.s32 v3, v37;
	s16 =	simm.s32 $0x6400  }
0x217: {  	[tilespmem:s16], [sflag:$0x2] =	stream.indirect_vreg.gather [hbm4b:s10+s3], $0x80, v22, vm0, $0xb8;
	[tilespmem:$0xDD00] =	vst v63  }
0x218: {  	v40 =	vperm.xlane v21, v11;
	v22 =	vadd.s32 v3, v39;
	s16 =	simm.s32 $0x6480  }
0x219: {  	[tilespmem:s16], [sflag:$0x2] =	stream.indirect_vreg.gather [hbm4b:s10+s3], $0x80, v23, vm0, $0xb8;
	[tilespmem:$0xDD00] =	vst v63  }
0x21a: {  	v41 =	vperm.xlane v21, v12;
	v23 =	vadd.s32 v3, v40;
	s16 =	simm.s32 $0x6500  }
0x21b: {  	[tilespmem:s16], [sflag:$0x2] =	stream.indirect_vreg.gather [hbm4b:s10+s3], $0x80, v38, vm0, $0xb8;
	[tilespmem:$0xDD00] =	vst v63  }
0x21c: {  	v43 =	vperm.xlane v21, v13;
	v42 =	vadd.s32 v3, v41;
	s16 =	simm.s32 $0x6580  }
0x21d: {  	[tilespmem:s16], [sflag:$0x2] =	stream.indirect_vreg.gather [hbm4b:s10+s3], $0x80, v22, vm0, $0xb8;
	[tilespmem:$0xDD00] =	vst v63  }
0x21e: {  	v44 =	vperm.xlane v21, v14;
	v22 =	vadd.s32 v3, v43;
	s16 =	simm.s32 $0x6600  }
0x21f: {  	[tilespmem:s16], [sflag:$0x2] =	stream.indirect_vreg.gather [hbm4b:s10+s3], $0x80, v23, vm0, $0xb8;
	[tilespmem:$0xDD00] =	vst v63  }
0x220: {  	v45 =	vperm.xlane v21, v15;
	v23 =	vadd.s32 v3, v44;
	s16 =	simm.s32 $0x6680  }
0x221: {  	[tilespmem:s16], [sflag:$0x2] =	stream.indirect_vreg.gather [hbm4b:s10+s3], $0x80, v42, vm0, $0xb8;
	[tilespmem:$0xDD00] =	vst v63  }
0x222: {  	v21 =	vperm.xlane v21, v16;
	v46 =	vadd.s32 v3, v45;
	s16 =	simm.s32 $0x6700  }
0x223: {  	[tilespmem:s16], [sflag:$0x2] =	stream.indirect_vreg.gather [hbm4b:s10+s3], $0x80, v22, vm0, $0xb8;
	[tilespmem:$0xDD00] =	vst v63  }
0x224: {  	v21 =	vadd.s32 v3, v21;
	s16 =	simm.s32 $0x6780  }
0x225: {  	[tilespmem:s16], [sflag:$0x2] =	stream.indirect_vreg.gather [hbm4b:s10+s3], $0x80, v23, vm0, $0xb8;
	[tilespmem:$0xDD00] =	vst v63  }
0x226: {  	s16 =	simm.s32 $0x6800  }
0x227: {  	[tilespmem:s16], [sflag:$0x2] =	stream.indirect_vreg.gather [hbm4b:s10+s3], $0x80, v46, vm0, $0xb8;
	[tilespmem:$0xDD00] =	vst v63  }
0x228: {  	s16 =	simm.s32 $0x6880  }
0x229: {  	[tilespmem:s16], [sflag:$0x2] =	stream.indirect_vreg.gather [hbm4b:s10+s3], $0x80, v21, vm0, $0xb8;
	[tilespmem:$0xDD00] =	vst v63  }
0x22a: {  	v21 =	vld [tilespmem:$0x50];
	_ =	sdelay $0x4  }
0x22b: {  	v22 =	vshrl.u32 v21, $0x3  }
0x22c: {  	v22 =	vmul.u32 $0x18, v22  }
0x22d: {  	v21 =	vand.u32 $0x7, v21  }
0x22e: {  	v21 =	vor.u32 v21, v22  }
0x22f: {  	v22 =	vperm.xlane v21, v2;
	_ =	sdelay $0x1  }
0x230: {  	v23 =	vperm.xlane v21, v4;
	v22 =	vadd.s32 v3, v22;
	_ =	sdelay $0x1  }
0x231: {  	v47 =	vperm.xlane v21, v5;
	v23 =	vadd.s32 v3, v23;
	_ =	sdelay $0x1  }
0x232: {  	s16 =	simm.s32 $0x6900;
	v48 =	vperm.xlane v21, v0;
	v24 =	vadd.s32 v3, v47  }
0x233: {  	[tilespmem:s16], [sflag:$0x2] =	stream.indirect_vreg.gather [hbm4b:s10+s3], $0x80, v22, vm0, $0xb8;
	[tilespmem:$0xDD00] =	vst v63  }
0x234: {  	v49 =	vperm.xlane v21, v6;
	v22 =	vadd.s32 v3, v48;
	s16 =	simm.s32 $0x6980  }
0x235: {  	[tilespmem:s16], [sflag:$0x2] =	stream.indirect_vreg.gather [hbm4b:s10+s3], $0x80, v23, vm0, $0xb8;
	[tilespmem:$0xDD00] =	vst v63  }
0x236: {  	v50 =	vperm.xlane v21, v7;
	v23 =	vadd.s32 v3, v49;
	s16 =	simm.s32 $0x6A00  }
0x237: {  	[tilespmem:s16], [sflag:$0x2] =	stream.indirect_vreg.gather [hbm4b:s10+s3], $0x80, v24, vm0, $0xb8;
	[tilespmem:$0xDD00] =	vst v63  }
0x238: {  	v52 =	vperm.xlane v21, v8;
	v51 =	vadd.s32 v3, v50;
	s16 =	simm.s32 $0x6A80  }
0x239: {  	[tilespmem:s16], [sflag:$0x2] =	stream.indirect_vreg.gather [hbm4b:s10+s3], $0x80, v22, vm0, $0xb8;
	[tilespmem:$0xDD00] =	vst v63  }
0x23a: {  	v53 =	vperm.xlane v21, v1;
	v22 =	vadd.s32 v3, v52;
	s16 =	simm.s32 $0x6B00  }
0x23b: {  	[tilespmem:s16], [sflag:$0x2] =	stream.indirect_vreg.gather [hbm4b:s10+s3], $0x80, v23, vm0, $0xb8;
	[tilespmem:$0xDD00] =	vst v63  }
0x23c: {  	v54 =	vperm.xlane v21, v9;
	v23 =	vadd.s32 v3, v53;
	s16 =	simm.s32 $0x6B80  }
0x23d: {  	[tilespmem:s16], [sflag:$0x2] =	stream.indirect_vreg.gather [hbm4b:s10+s3], $0x80, v51, vm0, $0xb8;
	[tilespmem:$0xDD00] =	vst v63  }
0x23e: {  	v56 =	vperm.xlane v21, v10;
	v55 =	vadd.s32 v3, v54;
	s16 =	simm.s32 $0x6C00  }
0x23f: {  	[tilespmem:s16], [sflag:$0x2] =	stream.indirect_vreg.gather [hbm4b:s10+s3], $0x80, v22, vm0, $0xb8;
	[tilespmem:$0xDD00] =	vst v63  }
0x240: {  	v57 =	vperm.xlane v21, v11;
	v22 =	vadd.s32 v3, v56;
	s16 =	simm.s32 $0x6C80  }
0x241: {  	[tilespmem:s16], [sflag:$0x2] =	stream.indirect_vreg.gather [hbm4b:s10+s3], $0x80, v23, vm0, $0xb8;
	[tilespmem:$0xDD00] =	vst v63  }
0x242: {  	v58 =	vperm.xlane v21, v12;
	v23 =	vadd.s32 v3, v57;
	s16 =	simm.s32 $0x6D00  }
0x243: {  	[tilespmem:s16], [sflag:$0x2] =	stream.indirect_vreg.gather [hbm4b:s10+s3], $0x80, v55, vm0, $0xb8;
	[tilespmem:$0xDD00] =	vst v63  }
0x244: {  	v60 =	vperm.xlane v21, v13;
	v59 =	vadd.s32 v3, v58;
	s16 =	simm.s32 $0x6D80  }
0x245: {  	[tilespmem:s16], [sflag:$0x2] =	stream.indirect_vreg.gather [hbm4b:s10+s3], $0x80, v22, vm0, $0xb8;
	[tilespmem:$0xDD00] =	vst v63  }
0x246: {  	v61 =	vperm.xlane v21, v14;
	v22 =	vadd.s32 v3, v60;
	s16 =	simm.s32 $0x6E00  }
0x247: {  	[tilespmem:s16], [sflag:$0x2] =	stream.indirect_vreg.gather [hbm4b:s10+s3], $0x80, v23, vm0, $0xb8;
	[tilespmem:$0xDD00] =	vst v63  }
0x248: {  	v62 =	vperm.xlane v21, v15;
	v23 =	vadd.s32 v3, v61;
	s16 =	simm.s32 $0x6E80  }
0x249: {  	[tilespmem:s16], [sflag:$0x2] =	stream.indirect_vreg.gather [hbm4b:s10+s3], $0x80, v59, vm0, $0xb8;
	[tilespmem:$0xDD00] =	vst v63  }
0x24a: {  	v21 =	vperm.xlane v21, v16;
	v63 =	vadd.s32 v3, v62;
	s16 =	simm.s32 $0x6F00  }
0x24b: {  	[tilespmem:s16], [sflag:$0x2] =	stream.indirect_vreg.gather [hbm4b:s10+s3], $0x80, v22, vm0, $0xb8;
	[tilespmem:$0xDD00] =	vst v63  }
0x24c: {  	v21 =	vadd.s32 v3, v21;
	s16 =	simm.s32 $0x6F80  }
0x24d: {  	[tilespmem:s16], [sflag:$0x2] =	stream.indirect_vreg.gather [hbm4b:s10+s3], $0x80, v23, vm0, $0xb8;
	[tilespmem:$0xDD00] =	vst v63  }
0x24e: {  	s16 =	simm.s32 $0x7000  }
0x24f: {  	[tilespmem:s16], [sflag:$0x2] =	stream.indirect_vreg.gather [hbm4b:s10+s3], $0x80, v63, vm0, $0xb8;
	[tilespmem:$0xDD00] =	vst v63  }
0x250: {  	s16 =	simm.s32 $0x7080  }
0x251: {  	[tilespmem:s16], [sflag:$0x2] =	stream.indirect_vreg.gather [hbm4b:s10+s3], $0x80, v21, vm0, $0xb8;
	[tilespmem:$0xDD00] =	vst v63  }
0x252: {  	v21 =	vld [tilespmem:$0x60];
	_ =	sdelay $0x4  }
0x253: {  	v22 =	vshrl.u32 v21, $0x3  }
0x254: {  	v22 =	vmul.u32 $0x18, v22  }
0x255: {  	v21 =	vand.u32 $0x7, v21  }
0x256: {  	v21 =	vor.u32 v21, v22  }
0x257: {  	v22 =	vperm.xlane v21, v2;
	_ =	sdelay $0x1  }
0x258: {  	v23 =	vperm.xlane v21, v4;
	v22 =	vadd.s32 v3, v22;
	_ =	sdelay $0x1  }
0x259: {  	v28 =	vperm.xlane v21, v5;
	v23 =	vadd.s32 v3, v23;
	_ =	sdelay $0x1  }
0x25a: {  	s16 =	simm.s32 $0x7100;
	v29 =	vperm.xlane v21, v0;
	v24 =	vadd.s32 v3, v28  }
0x25b: {  	[tilespmem:s16], [sflag:$0x2] =	stream.indirect_vreg.gather [hbm4b:s10+s3], $0x80, v22, vm0, $0xb8;
	[tilespmem:$0xDD00] =	vst v63  }
0x25c: {  	v30 =	vperm.xlane v21, v6;
	v22 =	vadd.s32 v3, v29;
	s16 =	simm.s32 $0x7180  }
0x25d: {  	[tilespmem:s16], [sflag:$0x2] =	stream.indirect_vreg.gather [hbm4b:s10+s3], $0x80, v23, vm0, $0xb8;
	[tilespmem:$0xDD00] =	vst v63  }
0x25e: {  	v31 =	vperm.xlane v21, v7;
	v23 =	vadd.s32 v3, v30;
	s16 =	simm.s32 $0x7200  }
0x25f: {  	[tilespmem:s16], [sflag:$0x2] =	stream.indirect_vreg.gather [hbm4b:s10+s3], $0x80, v24, vm0, $0xb8;
	[tilespmem:$0xDD00] =	vst v63  }
0x260: {  	v33 =	vperm.xlane v21, v8;
	v32 =	vadd.s32 v3, v31;
	s16 =	simm.s32 $0x7280  }
0x261: {  	[tilespmem:s16], [sflag:$0x2] =	stream.indirect_vreg.gather [hbm4b:s10+s3], $0x80, v22, vm0, $0xb8;
	[tilespmem:$0xDD00] =	vst v63  }
0x262: {  	v34 =	vperm.xlane v21, v1;
	v22 =	vadd.s32 v3, v33;
	s16 =	simm.s32 $0x7300  }
0x263: {  	[tilespmem:s16], [sflag:$0x2] =	stream.indirect_vreg.gather [hbm4b:s10+s3], $0x80, v23, vm0, $0xb8;
	[tilespmem:$0xDD00] =	vst v63  }
0x264: {  	v35 =	vperm.xlane v21, v9;
	v23 =	vadd.s32 v3, v34;
	s16 =	simm.s32 $0x7380  }
0x265: {  	[tilespmem:s16], [sflag:$0x2] =	stream.indirect_vreg.gather [hbm4b:s10+s3], $0x80, v32, vm0, $0xb8;
	[tilespmem:$0xDD00] =	vst v63  }
0x266: {  	v37 =	vperm.xlane v21, v10;
	v36 =	vadd.s32 v3, v35;
	s16 =	simm.s32 $0x7400  }
0x267: {  	[tilespmem:s16], [sflag:$0x2] =	stream.indirect_vreg.gather [hbm4b:s10+s3], $0x80, v22, vm0, $0xb8;
	[tilespmem:$0xDD00] =	vst v63  }
0x268: {  	v38 =	vperm.xlane v21, v11;
	v22 =	vadd.s32 v3, v37;
	s16 =	simm.s32 $0x7480  }
0x269: {  	[tilespmem:s16], [sflag:$0x2] =	stream.indirect_vreg.gather [hbm4b:s10+s3], $0x80, v23, vm0, $0xb8;
	[tilespmem:$0xDD00] =	vst v63  }
0x26a: {  	v39 =	vperm.xlane v21, v12;
	v23 =	vadd.s32 v3, v38;
	s16 =	simm.s32 $0x7500  }
0x26b: {  	[tilespmem:s16], [sflag:$0x2] =	stream.indirect_vreg.gather [hbm4b:s10+s3], $0x80, v36, vm0, $0xb8;
	[tilespmem:$0xDD00] =	vst v63  }
0x26c: {  	v41 =	vperm.xlane v21, v13;
	v40 =	vadd.s32 v3, v39;
	s16 =	simm.s32 $0x7580  }
0x26d: {  	[tilespmem:s16], [sflag:$0x2] =	stream.indirect_vreg.gather [hbm4b:s10+s3], $0x80, v22, vm0, $0xb8;
	[tilespmem:$0xDD00] =	vst v63  }
0x26e: {  	v42 =	vperm.xlane v21, v14;
	v22 =	vadd.s32 v3, v41;
	s16 =	simm.s32 $0x7600  }
0x26f: {  	[tilespmem:s16], [sflag:$0x2] =	stream.indirect_vreg.gather [hbm4b:s10+s3], $0x80, v23, vm0, $0xb8;
	[tilespmem:$0xDD00] =	vst v63  }
0x270: {  	v43 =	vperm.xlane v21, v15;
	v23 =	vadd.s32 v3, v42;
	s16 =	simm.s32 $0x7680  }
0x271: {  	[tilespmem:s16], [sflag:$0x2] =	stream.indirect_vreg.gather [hbm4b:s10+s3], $0x80, v40, vm0, $0xb8;
	[tilespmem:$0xDD00] =	vst v63  }
0x272: {  	v21 =	vperm.xlane v21, v16;
	v44 =	vadd.s32 v3, v43;
	s16 =	simm.s32 $0x7700  }
0x273: {  	[tilespmem:s16], [sflag:$0x2] =	stream.indirect_vreg.gather [hbm4b:s10+s3], $0x80, v22, vm0, $0xb8;
	[tilespmem:$0xDD00] =	vst v63  }
0x274: {  	v21 =	vadd.s32 v3, v21;
	s16 =	simm.s32 $0x7780  }
0x275: {  	[tilespmem:s16], [sflag:$0x2] =	stream.indirect_vreg.gather [hbm4b:s10+s3], $0x80, v23, vm0, $0xb8;
	[tilespmem:$0xDD00] =	vst v63  }
0x276: {  	s16 =	simm.s32 $0x7800  }
0x277: {  	[tilespmem:s16], [sflag:$0x2] =	stream.indirect_vreg.gather [hbm4b:s10+s3], $0x80, v44, vm0, $0xb8;
	[tilespmem:$0xDD00] =	vst v63  }
0x278: {  	s16 =	simm.s32 $0x7880  }
0x279: {  	[tilespmem:s16], [sflag:$0x2] =	stream.indirect_vreg.gather [hbm4b:s10+s3], $0x80, v21, vm0, $0xb8;
	[tilespmem:$0xDD00] =	vst v63  }
0x27a: {  	v21 =	vld [tilespmem:$0x70];
	_ =	sdelay $0x4  }
0x27b: {  	v22 =	vshrl.u32 v21, $0x3  }
0x27c: {  	v22 =	vmul.u32 $0x18, v22  }
0x27d: {  	v21 =	vand.u32 $0x7, v21  }
0x27e: {  	v21 =	vor.u32 v21, v22  }
0x27f: {  	v22 =	vperm.xlane v21, v2;
	_ =	sdelay $0x1  }
0x280: {  	v23 =	vperm.xlane v21, v4;
	v22 =	vadd.s32 v3, v22;
	_ =	sdelay $0x1  }
0x281: {  	v45 =	vperm.xlane v21, v5;
	v23 =	vadd.s32 v3, v23;
	_ =	sdelay $0x1  }
0x282: {  	v46 =	vperm.xlane v21, v0;
	v24 =	vadd.s32 v3, v45  }
0x283: {  	[tilespmem:s23], [sflag:$0x2] =	stream.indirect_vreg.gather [hbm4b:s10+s3], $0x80, v22, vm0, $0xb8;
	[tilespmem:$0xDD00] =	vst v63  }
0x284: {  	v47 =	vperm.xlane v21, v6;
	v22 =	vadd.s32 v3, v46  }
0x285: {  	[tilespmem:s24], [sflag:$0x2] =	stream.indirect_vreg.gather [hbm4b:s10+s3], $0x80, v23, vm0, $0xb8;
	[tilespmem:$0xDD00] =	vst v63  }
0x286: {  	v48 =	vperm.xlane v21, v7;
	v23 =	vadd.s32 v3, v47  }
0x287: {  	[tilespmem:s25], [sflag:$0x2] =	stream.indirect_vreg.gather [hbm4b:s10+s3], $0x80, v24, vm0, $0xb8;
	[tilespmem:$0xDD00] =	vst v63  }
0x288: {  	v50 =	vperm.xlane v21, v8;
	v49 =	vadd.s32 v3, v48  }
0x289: {  	[tilespmem:s22], [sflag:$0x2] =	stream.indirect_vreg.gather [hbm4b:s10+s3], $0x80, v22, vm0, $0xb8;
	[tilespmem:$0xDD00] =	vst v63  }
0x28a: {  	s16 =	simm.s32 $0x7B00;
	v51 =	vperm.xlane v21, v1;
	v22 =	vadd.s32 v3, v50  }
0x28b: {  	[tilespmem:s16], [sflag:$0x2] =	stream.indirect_vreg.gather [hbm4b:s10+s3], $0x80, v23, vm0, $0xb8;
	[tilespmem:$0xDD00] =	vst v63  }
0x28c: {  	v52 =	vperm.xlane v21, v9;
	v23 =	vadd.s32 v3, v51;
	s16 =	simm.s32 $0x7B80  }
0x28d: {  	[tilespmem:s16], [sflag:$0x2] =	stream.indirect_vreg.gather [hbm4b:s10+s3], $0x80, v49, vm0, $0xb8;
	[tilespmem:$0xDD00] =	vst v63  }
0x28e: {  	v54 =	vperm.xlane v21, v10;
	v53 =	vadd.s32 v3, v52  }
0x28f: {  	[tilespmem:s19], [sflag:$0x2] =	stream.indirect_vreg.gather [hbm4b:s10+s3], $0x80, v22, vm0, $0xb8;
	[tilespmem:$0xDD00] =	vst v63  }
0x290: {  	v55 =	vperm.xlane v21, v11;
	v22 =	vadd.s32 v3, v54  }
0x291: {  	[tilespmem:s20], [sflag:$0x2] =	stream.indirect_vreg.gather [hbm4b:s10+s3], $0x80, v23, vm0, $0xb8;
	[tilespmem:$0xDD00] =	vst v63  }
0x292: {  	v56 =	vperm.xlane v21, v12;
	v23 =	vadd.s32 v3, v55  }
0x293: {  	[tilespmem:s18], [sflag:$0x2] =	stream.indirect_vreg.gather [hbm4b:s10+s3], $0x80, v53, vm0, $0xb8;
	[tilespmem:$0xDD00] =	vst v63  }
0x294: {  	v58 =	vperm.xlane v21, v13;
	v57 =	vadd.s32 v3, v56;
	s16 =	simm.s32 $0x7D80  }
0x295: {  	[tilespmem:s16], [sflag:$0x2] =	stream.indirect_vreg.gather [hbm4b:s10+s3], $0x80, v22, vm0, $0xb8;
	[tilespmem:$0xDD00] =	vst v63  }
0x296: {  	v59 =	vperm.xlane v21, v14;
	v22 =	vadd.s32 v3, v58;
	s16 =	simm.s32 $0x7E00  }
0x297: {  	[tilespmem:s16], [sflag:$0x2] =	stream.indirect_vreg.gather [hbm4b:s10+s3], $0x80, v23, vm0, $0xb8;
	[tilespmem:$0xDD00] =	vst v63  }
0x298: {  	v60 =	vperm.xlane v21, v15;
	v23 =	vadd.s32 v3, v59;
	s16 =	simm.s32 $0x7E80  }
0x299: {  	[tilespmem:s16], [sflag:$0x2] =	stream.indirect_vreg.gather [hbm4b:s10+s3], $0x80, v57, vm0, $0xb8;
	[tilespmem:$0xDD00] =	vst v63  }
0x29a: {  	v21 =	vperm.xlane v21, v16;
	v61 =	vadd.s32 v3, v60;
	s16 =	simm.s32 $0x7F00  }
0x29b: {  	[tilespmem:s16], [sflag:$0x2] =	stream.indirect_vreg.gather [hbm4b:s10+s3], $0x80, v22, vm0, $0xb8;
	[tilespmem:$0xDD00] =	vst v63  }
0x29c: {  	v21 =	vadd.s32 v3, v21;
	s16 =	simm.s32 $0x7F80  }
0x29d: {  	[tilespmem:s16], [sflag:$0x2] =	stream.indirect_vreg.gather [hbm4b:s10+s3], $0x80, v23, vm0, $0xb8;
	[tilespmem:$0xDD00] =	vst v63  }
0x29e: {  	s16 =	simm.s32 $0x8000  }
0x29f: {  	[tilespmem:s16], [sflag:$0x2] =	stream.indirect_vreg.gather [hbm4b:s10+s3], $0x80, v61, vm0, $0xb8;
	[tilespmem:$0xDD00] =	vst v63  }
0x2a0: {  	s16 =	simm.s32 $0x8080  }
0x2a1: {  	[tilespmem:s16], [sflag:$0x2] =	stream.indirect_vreg.gather [hbm4b:s10+s3], $0x80, v21, vm0, $0xb8;
	[tilespmem:$0xDD00] =	vst v63  }
0x2a2: {  	_ = 	snop  }
0x2a3: {  	[tilespmem:s28], [sflag:$0x3] =	stream.indirect.gather [hbm4b:s6+s14], $0x80, s3, s14, $0xb8;
	[tilespmem:$0xDD00] =	vst v63  }
0x2a4: {  	_ =	swait.ge [sflag:s26], $0x4000  }
0x2a5: {  	[sflag:s26] =	ssyncset.done $0x0  }
0x2a6: {  	[sflag:s26] =	ssyncadd.s32 $0xFFFFC000  }
0x2a7: {  	s2 =	smul.u32 $0x180, s2;
	_ =	swait.ge [sflag:s29], $0x4000  }
0x2a8: {  	[sflag:s29] =	ssyncset.done $0x0  }
0x2a9: {  	s2 =	sadd.s32 s8, s2;
	[sflag:s29] =	ssyncadd.s32 $0xFFFFC000  }
0x2aa: {  	[hbm4b:s2+s21] =	stream.strided.scatter [tilespmem:s15], [sflag:$0x4], $0x4000, s17, s21, $0x38;
	[tilespmem:$0xDD00] =	vst v63  }
0x2ab: {  	s16 =	sadd.s32 $0x80, s2;
	v21 =	vmov s3  }
0x2ac: {  	[hbm4b:s16+s21] =	stream.strided.scatter [tilespmem:s7], [sflag:$0x4], $0x4000, s17, s21, $0x38;
	[tilespmem:$0xDD00] =	vst v63  }
0x2ad: {  	_ =	swait.ge [sflag:s30], $0x4000  }
0x2ae: {  	[sflag:s30] =	ssyncset.done $0x0  }
0x2af: {  	[sflag:s30] =	ssyncadd.s32 $0xFFFFC000  }
0x2b0: {  	v21 =	vld.idx.msk [tilespmem:v21+s14+$0x0], $0xffff;
	_ =	sdelay $0x4  }
0x2b1: {  	v21 =	vshll.u32 v21, $0x7  }
0x2b2: {  	v22 =	vor.u32 v17, v21;
	_ =	sdelay $0x2  }
0x2b3: {  	s3 =	simm.s32 $0x8150  }
0x2b4: {  	v23 =	vld [tilespmem:s3+$0xFFFFFFD0]  }
0x2b5: {  	v22 =	vld.idx.msk [tilespmem:v22+s12+$0x0], $0xffff;
	_ =	sdelay $0x2  }
0x2b6: {  	v62 =	vor.u32 v18, v21;
	_ =	sdelay $0x1  }
0x2b7: {  	v22 =	vadd.f32 v23, v22;
	_ =	sdelay $0x1  }
0x2b8: {  	v23 =	vld [tilespmem:s3+$0xFFFFFFE0];
	[tilespmem:s3+$0xFFFFFFD0] =	vst v22  }
0x2b9: {  	v22 =	vld.idx.msk [tilespmem:v62+s12+$0x0], $0xffff;
	_ =	sdelay $0x2  }
0x2ba: {  	v63 =	vor.u32 v19, v21;
	_ =	sdelay $0x1  }
0x2bb: {  	v22 =	vadd.f32 v23, v22;
	_ =	sdelay $0x1  }
0x2bc: {  	v23 =	vld [tilespmem:s3+$0xFFFFFFF0];
	[tilespmem:s3+$0xFFFFFFE0] =	vst v22  }
0x2bd: {  	v22 =	vld.idx.msk [tilespmem:v63+s12+$0x0], $0xffff;
	_ =	sdelay $0x2  }
0x2be: {  	v21 =	vor.u32 v20, v21;
	_ =	sdelay $0x1  }
0x2bf: {  	v22 =	vadd.f32 v23, v22;
	_ =	sdelay $0x1  }
0x2c0: {  	v23 =	vld [tilespmem:s3+$0x0];
	[tilespmem:s3+$0xFFFFFFF0] =	vst v22  }
0x2c1: {  	v22 =	vld.idx.msk [tilespmem:v21+s12+$0x0], $0xffff;
	_ =	sdelay $0x1  }
0x2c2: {  	s16 =	simm.s32 $0x1  }
0x2c3: {  	v21 =	vmov s16;
	_ =	sdelay $0x1  }
0x2c4: {  	s11 =	simm.s32 $0x2;
	v22 =	vadd.f32 v23, v22  }
.LBB2_3:
0x2c5: {  	p0 =	sne.s32 s11, $0x7F  }
0x2c6: {  	s16 =	smov.u32 s11;
	s11 =	sadd.s32 $0x1, s11;
	[tilespmem:s3+$0x0] =	vst v22;
	s3 =	sadd.s32 $0x80, s3  }
0x2c7: {  	v21 =	vld.idx.msk [tilespmem:v21+s14+$0x0], $0xffff;
	_ =	sdelay $0x5  }
0x2c8: {  	v21 =	vshll.u32 v21, $0x7  }
0x2c9: {  	v22 =	vor.u32 v17, v21;
	_ =	sdelay $0x4  }
0x2ca: {  	v22 =	vld.idx.msk [tilespmem:v22+s12+$0x0], $0xffff  }
0x2cb: {  	v23 =	vld [tilespmem:s3+$0xFFFFFFD0];
	_ =	sdelay $0x2  }
0x2cc: {  	v24 =	vor.u32 v18, v21;
	_ =	sdelay $0x1  }
0x2cd: {  	v22 =	vadd.f32 v23, v22;
	_ =	sdelay $0x1  }
0x2ce: {  	[tilespmem:s3+$0xFFFFFFD0] =	vst v22  }
0x2cf: {  	v22 =	vld.idx.msk [tilespmem:v24+s12+$0x0], $0xffff  }
0x2d0: {  	v23 =	vld [tilespmem:s3+$0xFFFFFFE0];
	_ =	sdelay $0x2  }
0x2d1: {  	v24 =	vor.u32 v19, v21;
	_ =	sdelay $0x1  }
0x2d2: {  	v22 =	vadd.f32 v23, v22;
	_ =	sdelay $0x1  }
0x2d3: {  	[tilespmem:s3+$0xFFFFFFE0] =	vst v22  }
0x2d4: {  	v22 =	vld.idx.msk [tilespmem:v24+s12+$0x0], $0xffff  }
0x2d5: {  	v23 =	vld [tilespmem:s3+$0xFFFFFFF0];
	_ =	sdelay $0x2  }
0x2d6: {  	v21 =	vor.u32 v20, v21;
	_ =	sdelay $0x1  }
0x2d7: {  	v22 =	vadd.f32 v23, v22;
	_ =	sdelay $0x1  }
0x2d8: {  	[tilespmem:s3+$0xFFFFFFF0] =	vst v22  }
0x2d9: {  	v22 =	vld.idx.msk [tilespmem:v21+s12+$0x0], $0xffff  }
0x2da: {  	v23 =	vld [tilespmem:s3+$0x0]  }
.Ltmp0:
0x2db: {  	(pc) =	sbr.rel @p0 .LBB2_3-.Ltmp0, $3  }
0x2dc: {  	_ = 	snop  }
0x2dd: {  	v21 =	vmov s16;
	_ =	sdelay $0x1  }
0x2de: {  	v22 =	vadd.f32 v23, v22  }
0x2df: {  	_ =	sdelay $0x2  }
0x2e0: {  	[tilespmem:s3+$0x0] =	vst v22  }
0x2e1: {  	v21 =	vld.idx.msk [tilespmem:v21+s14+$0x0], $0xffff;
	_ =	sdelay $0x4  }
0x2e2: {  	v21 =	vshll.u32 v21, $0x7  }
0x2e3: {  	v22 =	vor.u32 v17, v21;
	_ =	sdelay $0x2  }
0x2e4: {  	s16 =	sadd.s32 $0x80, s3  }
0x2e5: {  	v23 =	vld [tilespmem:s16+$0xFFFFFFD0]  }
0x2e6: {  	v22 =	vld.idx.msk [tilespmem:v22+s12+$0x0], $0xffff;
	_ =	sdelay $0x2  }
0x2e7: {  	v24 =	vor.u32 v18, v21;
	_ =	sdelay $0x1  }
0x2e8: {  	v22 =	vadd.f32 v23, v22;
	_ =	sdelay $0x1  }
0x2e9: {  	v23 =	vld [tilespmem:s16+$0xFFFFFFE0];
	[tilespmem:s16+$0xFFFFFFD0] =	vst v22  }
0x2ea: {  	v22 =	vld.idx.msk [tilespmem:v24+s12+$0x0], $0xffff;
	_ =	sdelay $0x2  }
0x2eb: {  	v63 =	vor.u32 v19, v21;
	_ =	sdelay $0x1  }
0x2ec: {  	v22 =	vadd.f32 v23, v22;
	_ =	sdelay $0x1  }
0x2ed: {  	v23 =	vld [tilespmem:s16+$0xFFFFFFF0];
	[tilespmem:s16+$0xFFFFFFE0] =	vst v22  }
0x2ee: {  	v22 =	vld.idx.msk [tilespmem:v63+s12+$0x0], $0xffff;
	_ =	sdelay $0x2  }
0x2ef: {  	v21 =	vor.u32 v20, v21;
	_ =	sdelay $0x1  }
0x2f0: {  	v22 =	vadd.f32 v23, v22;
	_ =	sdelay $0x1  }
0x2f1: {  	[tilespmem:s16+$0xFFFFFFF0] =	vst v22;
	v22 =	vld [tilespmem:s16+$0x0]  }
0x2f2: {  	v21 =	vld.idx.msk [tilespmem:v21+s12+$0x0], $0xffff;
	_ =	sdelay $0x4  }
0x2f3: {  	v21 =	vadd.f32 v22, v21;
	_ =	sdelay $0x1  }
0x2f4: {  	s2 =	sadd.s32 $0x100, s2;
	[tilespmem:s16+$0x0] =	vst v21  }
0x2f5: {  	[hbm4b:s2+s21] =	stream.strided.scatter [tilespmem:s28], [sflag:$0x4], $0x4000, s17, s21, $0x38;
	[tilespmem:$0xDD00] =	vst v63  }
0x2f6: {  	_ =	swait.ge [sflag:s31], $0x4000  }
0x2f7: {  	[sflag:s31] =	ssyncset.done $0x0  }
0x2f8: {  	s0 =	sadd.s32 $0x1, s0;
	[sflag:s31] =	ssyncadd.s32 $0xFFFFC000  }
0x2f9: {  	p0 =	sne.s32 s0, $0x32;
	_ =	swait.ge [sflag:s31], $0x4000  }
.Ltmp1:
0x2fa: {  	[sflag:s31] =	ssyncset.done $0x0;
	(pc) =	sbr.rel @p0 .LBB2_2-.Ltmp1, $4  }
0x2fb: {  	[sflag:s31] =	ssyncadd.s32 $0xFFFFC000  }
0x2fc: {  	_ =	swait.ge [sflag:s31], $0x4000  }
0x2fd: {  	[sflag:s31] =	ssyncset.done $0x0  }
0x2fe: {  	[sflag:s31] =	ssyncadd.s32 $0xFFFFC000  }
0x2ff: {  	s2 =	rddreg [dreg:$0x5]  }
0x300: {  	s0 =	rddreg [dreg:$0x4];
	s2 =	sadd.s32 $0x1, s2  }
0x301: {  	p0 =	sne.s32 s2, s0  }
.Ltmp2:
0x302: {  	_ = 	snop;
	(pc) =	sbr.rel @p0 .LBB2_1-.Ltmp2, $1  }
0x303: {  	_ =	sdelay $0x3  }
0x304: {  	_ =	sfence.sel $0x180000  }
0x305: {  	[bflag:$0x0] =	sbarrier.arrive $0xFFFF  }
0x306: {  	_ =	strace $0x90000047  }
0x307: {  	s0 =	stileid.u32;
	[bflag:$0x2] =	sbarrier.arrive $0xFFFF  }
0x308: {  	p0 =	sne.s32 s0, $0x0;
	s0 =	rddreg [dreg:$0x2]  }
0x309: {  	s0 =	sadd.s32 @!p0 $0x100000, s0  }
0x30a: {  	[sflag:s0] =	ssyncadd.tile.s32 @!p0 $0x1;
	_ =	shalt  }
.Lfunc_end2:
_tile_overlayer_lowered:
.L_overlay_start_2:
0x30b: {  	(tag) =	ssettag $0x2  }
0x30c: {  	s0 =	rddreg [dreg:$0x0];
	s2 =	stileid.u32  }
0x30d: {  	s1 =	rddreg [dreg:$0x1];
	p0 =	sne.s32 s2, $0x0  }
0x30e: {  	s3 =	rddreg [dreg:$0x2];
	[bflag:$0x3] =	sbarrier.arrive $0xFFFF;
	s2 =	simm.s32 @!p0 $0x1C05  }
0x30f: {  	[timem:s3], [sflag:s2] =	dma.local @!p0 [hbm:s0], s1  }
0x310: {  	s0 =	simm.s32 @!p0 $0x5  }
0x311: {  	_ =	swait.ge @!p0 [sflag:s0], s1  }
0x312: {  	s1 =	ssub.s32 @!p0 $0x0, s1;
	[sflag:s0] =	ssyncset.done @!p0 $0x0  }
0x313: {  	[sflag:s0] =	ssyncadd.s32 @!p0 s1  }
0x314: {  	[bflag:$0x3] =	sbarrier.arrive $0xFFFF  }
0x315: {  	_ =	shalt  }

// kernel: sparse-core-data-format-call.cloned.1.call-start
scs
called_computation_lowered:
.L_overlay_start_0:
0x0: {  	s2 =	sld [smem:$0x3FD9]  }
0x1: {  	s3 =	sld [smem:$0x3FFE];
	_ =	sdelay $0x1  }
0x2: {  	s1 =	srdreg.scid  }
0x3: {  	s0 =	sand.u32 $0x1, s1  }
0x4: {  	s18 =	sshll.u32 s0, $0xA;
	s2 =	sadd.s32 s3, s2  }
0x5: {  	s2 =	sadd.s32 s2, s18  }
0x6: {  	[smem:$0x3FC4] =	sst s2  }
0x7: {  	_ = 	snop  }
0x8: {  	s2 =	sld [smem:$0x3FD0];
	(tm) =	ssettm $0x1  }
0x9: {  	s19 =	sld [smem:$0x3FFB];
	_ =	sdelay $0x3  }
0xa: {  	_ =	strace s19  }
0xb: {  	s3 =	sld [smem:$0x3FFC];
	_ =	sdelay $0x3  }
0xc: {  	_ =	strace s3  }
0xd: {  	s3 =	sld [smem:$0x3FFD];
	_ =	sdelay $0x3  }
0xe: {  	_ =	strace s3  }
0xf: {  	_ =	strace $0x8FFFFFFF  }
0x10: {  	s20 =	sld [smem:$0x3FDB];
	_ =	sdelay $0x1  }
0x11: {  	s4 =	simm.s32 $_scs_section_size  }
0x12: {  	s5 =	simm.s32 $_size__tile_overlayer_lowered;
	s6 =	simm.s32 $_tile_overlayer_lowered  }
0x13: {  	s23 =	simm.s32 $0x1BFF;
	s22 =	sshll.u32 s6, $0x1;
	s3 =	sadd.s32 s4, s20  }
0x14: {  	s7 =	simm.s32 $0x0;
	s21 =	sshll.u32 s5, $0x1;
	s5 =	sadd.s32 s22, s3  }
0x15: {  	[timem:s7], [sflag:s23] =	dma.local [hbm:s5], s21  }
0x16: {  	_ =	swait.ge [sflag:s23], s21  }
0x17: {  	s4 =	ssub.s32 $0x0, s21;
	[sflag:s23] =	ssyncset.done $0x0  }
0x18: {  	[sflag:s23] =	ssyncadd.s32 s4;
	_ =	sdelay $0x1  }
0x19: {  	s24 =	simm.s32 $0x1B8B  }
0x1a: {  	_ =	swait.ge [sflag:s24], $0x1  }
0x1b: {  	[sflag:s24] =	ssyncset.done $0x0  }
0x1c: {  	s26 =	simm.s32 $0x1B8E;
	s25 =	sld [smem:$0x3FFE];
	[sflag:s24] =	ssyncadd.s32 $0xFFFFFFFF  }
0x1d: {  	s27 =	simm.s32 $execute0_lowered;
	[smem:$0x3FD2] =	sst s26  }
0x1e: {  	s5 =	sshll.u32 s27, $0x1;
	_ =	strace $0x80000049;
	[dreg:$0x1] =	wrdreg $0xFFFFFFFF  }
0x1f: {  	s28 =	simm.s32 $_size_execute0_lowered;
	s3 =	sadd.s32 s3, s5;
	[dreg:$0x0] =	wrdreg $0x0  }
0x20: {  	s5 =	sshll.u32 s28, $0x1;
	[dreg:$0x2] =	wrdreg s3  }
0x21: {  	[dreg:$0x3] =	wrdreg s5  }
0x22: {  	[dreg:$0x4] =	wrdreg $0xC0  }
0x23: {  	_ =	task [dreg:s7], $0x5FFFF  }
0x24: {  	[dreg:$0x1] =	wrdreg $0xFFFFFFFF  }
0x25: {  	[dreg:$0x0] =	wrdreg $0x60  }
0x26: {  	[dreg:$0x2] =	wrdreg s25  }
0x27: {  	[dreg:$0x3] =	wrdreg s2  }
0x28: {  	[dreg:$0x4] =	wrdreg $0x9  }
0x29: {  	_ =	task.clear_ibuf [dreg:s7], $0x5FFFF;
	_ =	strace $0x90000049  }
0x2a: {  	s29 =	simm.s32 $0x9;
	_ =	strace $0x8000004B  }
0x2b: {  	_ =	swait.ge [sflag:s29], $0x1  }
0x2c: {  	[sflag:s29] =	ssyncadd.s32 $0xFFFFFFFF  }
0x2d: {  	_ =	strace $0x9000004B  }
0x2e: {  	_ =	sfence  }
0x2f: {  	s30 =	sld [smem:$0x0];
	_ =	sdelay $0x2  }
0x30: {  	s31 =	sshll.u32 s1, $0xD;
	s1 =	sshrl.u32 s1, $0x2  }
0x31: {  	s3 =	sand.u32 $0x4000, s31;
	s1 =	sadd.s32 s1, s30  }
0x32: {  	s0 =	sor.u32 s3, s0;
	s1 =	sshll.u32 s1, $0x11  }
0x33: {  	s0 =	sor.u32 s1, s0  }
0x34: {  	s0 =	sadd.s32 $0x8F2B, s0  }
0x35: {  	[sflag:s0] =	ssyncadd.remote.s32 $0x1  }
0x36: {  	_ =	sfence.sel $0xFFFF  }
0x37: {  	[dreg:$0x0] =	wrdreg $0xFFFFFFFF;
	(pc) =	sbr.abs _section_cstart, $3  }
0x38: {  	[dreg:$0x1] =	wrdreg $0xFFFFFFFF  }
0x39: {  	_ =	task.clear_ibuf [dreg:s7], $0x2FFFF;
	_ =	strace $0x9FFFFFFF  }
0x3a: {  	(tm) =	ssettm $0x7FFFFFFF  }
0x3b: {  	_ =	shalt  }
tec
execute0_lowered:
.L_overlay_start_1:
0x0: {  	(tag) =	ssettag $0x1  }
0x1: {  	s0 =	srdreg.scid;
	s6 =	rddreg [dreg:$0x0]  }
0x2: {  	s3 =	rddreg [dreg:$0x1];
	s1 =	sshll.u32 s0, $0x4  }
0x3: {  	s5 =	simm.s32 $0x1;
	s0 =	stileid.u32;
	s1 =	sand.u32 $0x10, s1  }
0x4: {  	s31 =	simm.s32 $0x2;
	s16 =	simm.s32 $0x0;
	s1 =	sor.u32 s0, s1  }
0x5: {  	s8 =	simm.s32 $0x8000;
	s18 =	simm.s32 $0x0;
	s2 =	sshll.u32 s1, $0x7  }
0x6: {  	s17 =	simm.s32 $0x0;
	s9 =	simm.s32 $0x0;
	s4 =	ssub.s32 $0x1000, s2  }
0x7: {  	s10 =	simm.s32 $0x0;
	s11 =	simm.s32 $0x0;
	s30 =	sand.u32 $0xF80, s4  }
0x8: {  	s12 =	simm.s32 $0x0;
	s13 =	simm.s32 $0x0;
	p0 =	sne.s32 s30, $0x0  }
.Ltmp0:
0x9: {  	s7 =	sshrl.u32 s4, $0xC;
	s5 =	simm.s32 @!p0 $0x0;
	(pc) =	sbr.rel .LBB1_1-.Ltmp0, $4  }
0xa: {  	s15 =	simm.s32 $0x0;
	s1 =	rddreg [dreg:$0x2];
	s5 =	sadd.s32 s5, s7  }
0xb: {  	_ =	strace $0x8000004A;
	s4 =	simm.s32 $0x1;
	s5 =	smul.u32 $0x96, s5  }
0xc: {  	s6 =	sadd.s32 $0xC7AE00, s6;
	s14 =	smov.u32 s2;
	[sflag:s4] =	ssyncpa.u1 $0x0  }
0xd: {  	[sflag:s31] =	ssyncpa.u1 $0x0;
	p0 =	por $0x0, $0x0;
	s7 =	sor.u32 $0x1, s5  }
.LBB1_4:
0xe: {  	s23 =	sshra.s32 s23, $0x2;
	s30 =	sshll.u32 s9, $0xC  }
0xf: {  	p1 =	sgt.s32 s10, $0x31;
	s24 =	smov.u32 s10;
	s25 =	sshra.s32 s10, $0x1F  }
0x10: {  	s26 =	sshll.u32 s11, $0x3;
	s28 =	smov.u32 s11;
	s29 =	sshra.s32 s11, $0x1F  }
0x11: {  	s22 =	sadd.s32 s23, s22;
	s24 =	simm.s32 @!p1 $0x31;
	s25 =	sand.u32 s25, s10  }
0x12: {  	s23 =	sand.u32 $0xFFFF8000, s30;
	s27 =	sand.u32 $0xFFFFFC00, s26;
	p1 =	sgt.s32 s9, $0xE0  }
0x13: {  	s31 =	sand.u32 s29, s11;
	s29 =	sshll.u32 s9, $0x7;
	s30 =	sshra.s32 s9, $0x1F  }
0x14: {  	[tilespmem:s21+$0x2040 ss:$0x81] =	vst.msk $0xffff, v4;
	s24 =	ssub.s32 s24, s25;
	s23 =	sadd.s32 s27, s23;
	s27 =	smov.u32 s9  }
0x15: {  	[tilespmem:s21+$0x2850 ss:$0x81] =	vst.msk $0xffff, v3;
	s29 =	sand.u32 $0x380, s29;
	s25 =	sadd.s32 $0xFFFFFFCF, s24;
	s27 =	simm.s32 @!p1 $0xE0  }
0x16: {  	v5 =	vld [tilespmem:s20+$0xFFFFFFD0];
	[tilespmem:s21+$0x3060 ss:$0x81] =	vst.msk $0xffff, v2;
	p1 =	sgt.s32 s11, $0xF80;
	s23 =	sshrl.u32 s23, $0xC;
	s24 =	ssub.s32 $0x32, s24  }
0x17: {  	v58 =	vld [tilespmem:s20+$0xFFFFFFE0];
	[tilespmem:s21+$0x0 ss:$0x81] =	vst.msk $0xffff, v1;
	s28 =	simm.s32 @!p1 $0xF80;
	p1 =	sgt.s32 s25, $0x0;
	s21 =	smulhi.u32 $0xBA2E8C, s23  }
0x18: {  	v59 =	vld [tilespmem:s20+$0xFFFFFFF0];
	s25 =	ssub.s32 s28, s31;
	s28 =	sand.u32 s30, s9;
	s24 =	simm.s32 @p1 $0x0  }
0x19: {  	v60 =	vld [tilespmem:s20+$0x0];
	s27 =	ssub.s32 s27, s28;
	s31 =	sadd.s32 $0xFFFFF080, s25;
	s25 =	ssub.s32 $0x1000, s25  }
0x1a: {  	v61 =	vld [tilespmem:s20+$0x10];
	[tilespmem:s22+$0x3870 ss:$0x81] =	vst.msk $0xffff, v0;
	s21 =	smul.u32 $0x160, s21;
	s28 =	sand.u32 $0x7, s11;
	p1 =	sgt.s32 s31, $0x7F  }
0x1b: {  	v62 =	vld [tilespmem:s20+$0x20];
	[tilespmem:s22+$0x810 ss:$0x81] =	vst.msk $0xffff, v5;
	s30 =	sadd.s32 $0xFFFFFF20, s27;
	s31 =	sand.u32 $0x78, s11;
	s25 =	simm.s32 @p1 $0x0  }
0x1c: {  	v63 =	vld [tilespmem:s20+$0xFFFFFFC0];
	[tilespmem:s22+$0x1020 ss:$0x81] =	vst.msk $0xffff, v58;
	p1 =	sgt.s32 s30, $0x7F;
	s30 =	sand.u32 $0xC00, s26;
	s24 =	smul.u32 s25, s24  }
0x1d: {  	[tilespmem:s22+$0x1830 ss:$0x81] =	vst.msk $0xffff, v59;
	s26 =	ssub.s32 $0x160, s27;
	s20 =	sor.u32 s31, s30;
	s31 =	smul.u32 $0x2C000, s10  }
0x1e: {  	[tilespmem:s22+$0x2040 ss:$0x81] =	vst.msk $0xffff, v60;
	s21 =	ssub.s32 s23, s21;
	s26 =	simm.s32 @p1 $0x0;
	s20 =	sor.u32 s29, s20  }
0x1f: {  	[tilespmem:s22+$0x2850 ss:$0x81] =	vst.msk $0xffff, v61;
	s26 =	smul.u32 s26, s24;
	s20 =	sshrl.u32 s20, $0x3;
	s27 =	sadd.s32 s3, s31  }
0x20: {  	[tilespmem:s22+$0x3060 ss:$0x81] =	vst.msk $0xffff, v62;
	s21 =	sshll.u32 s21, $0x9;
	s29 =	sshll.u32 s28, $0x12;
	s20 =	sadd.s32 s20, s27  }
0x21: {  	[tilespmem:s22+$0x0 ss:$0x81] =	vst.msk $0xffff, v63;
	s31 =	sor.u32 $0x400, s29;
	s30 =	sand.u32 $0x3FFFFFFF, s26;
	s20 =	sadd.s32 s21, s20  }
0x22: {  	[hbm4b:s20+s31] =	stream.strided.scatter [tilespmem:s19], [sflag:$0x2], s30, s8, s31, $0x20;
	[tilespmem:$0x10100] =	vst v63  }
.LBB1_5:
0x23: {  	p1 =	slt.u32 s15, $0x2  }
0x24: {  	p2 =	sgt.s32 @!p1 s18, $0x31  }
0x25: {  	s19 =	smov.u32 s18;
	s20 =	sshra.s32 @!p1 s18, $0x1F;
	p2 =	por !p2, p1  }
0x26: {  	s18 =	sand.u32 @!p1 s20, s18;
	s19 =	simm.s32 @p2 $0x31  }
0x27: {  	p3 =	sgt.s32 @!p1 s16, $0xE0;
	s18 =	ssub.s32 @!p1 s19, s18  }
0x28: {  	p4 =	sgt.s32 @!p1 s17, $0xF80;
	s21 =	sshra.s32 @!p1 s17, $0x1F;
	s19 =	sadd.s32 @!p1 $0xFFFFFFCF, s18  }
0x29: {  	s20 =	smov.u32 s16;
	p2 =	sgt.s32 @!p1 s19, $0x0;
	s19 =	sshra.s32 @!p1 s16, $0x1F  }
0x2a: {  	p4 =	por !p4, p1;
	s16 =	sand.u32 @!p1 s19, s16;
	s19 =	smov.u32 s17  }
0x2b: {  	p3 =	por !p3, p1;
	s17 =	sand.u32 @!p1 s21, s17;
	s19 =	simm.s32 @p4 $0xF80  }
0x2c: {  	s20 =	simm.s32 @p3 $0xE0;
	s18 =	ssub.s32 @!p1 $0x32, s18;
	s17 =	ssub.s32 @!p1 s19, s17  }
0x2d: {  	p2 =	por !p2, p1;
	s16 =	ssub.s32 @!p1 s20, s16;
	s20 =	sadd.s32 @!p1 $0xFFFFF080, s17  }
0x2e: {  	s18 =	simm.s32 @!p2 $0x0;
	p3 =	sgt.s32 @!p1 s20, $0x7F  }
0x2f: {  	s19 =	sadd.s32 @!p1 $0xFFFFFF20, s16;
	s17 =	ssub.s32 @!p1 $0x1000, s17;
	p3 =	por !p3, p1  }
0x30: {  	p2 =	sgt.s32 @!p1 s19, $0x7F;
	s19 =	sadd.s32 $0x80, s12;
	s17 =	simm.s32 @!p3 $0x0  }
0x31: {  	p3 =	sgt.s32 s19, $0x15D;
	s17 =	smul.u32 @!p1 s17, s18;
	s18 =	simm.s32 $0x1  }
0x32: {  	s16 =	ssub.s32 @!p1 $0x160, s16;
	p2 =	por !p2, p1;
	s18 =	simm.s32 @!p3 $0x0  }
0x33: {  	s21 =	smov.u32 s14;
	s16 =	simm.s32 @!p2 $0x0;
	s20 =	sadd.s32 s18, s13  }
0x34: {  	s16 =	smul.u32 @!p1 s16, s17;
	s17 =	sadd.s32 $0x1000, s14;
	p2 =	sgt.s32 s20, $0x31  }
0x35: {  	p0 =	por !p0, !p0;
	s22 =	simm.s32 @!p1 $0x2;
	s21 =	smov.u32 @p2 s17  }
0x36: {  	s19 =	simm.s32 @p3 $0x0;
	s20 =	simm.s32 @p2 $0x0;
	p2 =	sgt.s32 s21, $0xFFF  }
0x37: {  	s18 =	smov.u32 s10;
	s21 =	smov.u32 @p2 s2;
	p2 =	sne.s32 s15, s7  }
.Ltmp1:
0x38: {  	s10 =	smov.u32 s13;
	s16 =	sand.u32 @!p1 $0x3FFFFFFF, s16;
	(pc) =	sbr.rel @!p2 .LBB1_6-.Ltmp1, $4  }
0x39: {  	s17 =	smov.u32 s11;
	s11 =	smov.u32 s14;
	_ =	swait.ge @!p1 [sflag:s22], s16  }
0x3a: {  	s23 =	ssub.s32 @!p1 $0x0, s16;
	s16 =	smov.u32 s9;
	s9 =	smov.u32 s12  }
0x3b: {  	s12 =	smov.u32 s19;
	s13 =	smov.u32 s20;
	[sflag:s22] =	ssyncset.done @!p1 $0x0  }
0x3c: {  	s15 =	sadd.s32 $0x1, s15;
	[sflag:s22] =	ssyncadd.s32 @!p1 s23;
	s14 =	smov.u32 s21  }
.LBB1_1:
0x3d: {  	p1 =	sge.u32 s15, s5  }
0x3e: {  	s19 =	sshrl.u32 @!p1 s13, $0x3  }
0x3f: {  	s20 =	sshll.u32 @!p1 s12, $0x3;
	s19 =	smul.u32 @!p1 $0xC00, s19  }
0x40: {  	s21 =	sshll.u32 @!p1 s13, $0x7;
	s20 =	sand.u32 @!p1 $0xFFFFFC00, s20  }
0x41: {  	s19 =	sadd.s32 @!p1 s19, s20;
	s20 =	sand.u32 @!p1 $0x380, s21  }
0x42: {  	s19 =	sor.u32 @!p1 s20, s19  }
0x43: {  	s20 =	sand.u32 @!p1 $0x7F, s12;
	s21 =	smulhi.u32 @!p1 $0xAAAAAAAB, s19  }
0x44: {  	s19 =	sor.u32 @!p1 s20, s19  }
0x45: {  	s20 =	smulhi.u32 @!p1 $0xAAAAAAAB, s19;
	s21 =	sshrl.u32 @!p1 s21, $0x8  }
0x46: {  	s22 =	smulhi.u32 @!p1 $0x4924925, s21;
	_ =	sdelay $0x1  }
0x47: {  	s20 =	sshrl.u32 @!p1 s20, $0x8;
	s22 =	smul.u32 @!p1 $0x38, s22  }
0x48: {  	s31 =	sadd.s32 $0xFFFFFFFF, s15;
	s20 =	smul.u32 @!p1 $0x180, s20  }
0x49: {  	s23 =	sxor.u32 @!p1 $0xFFFFFFFF, s15;
	s21 =	ssub.s32 @!p1 s21, s22;
	s22 =	smul.u32 @!p1 $0xA80, s14  }
0x4a: {  	s23 =	sshll.u32 @!p1 s23, $0xE;
	s19 =	ssub.s32 @!p1 s19, s20;
	s20 =	smul.u32 @!p1 $0x30, s21  }
0x4b: {  	s21 =	sand.u32 @!p1 $0x4000, s23;
	s23 =	sand.u32 @!p1 $0x7, s19;
	s22 =	sadd.s32 @!p1 s6, s22  }
0x4c: {  	s19 =	sshrl.u32 @!p1 s19, $0x3;
	s20 =	sadd.s32 @!p1 s20, s22;
	s22 =	sshll.u32 @!p1 s23, $0x12  }
0x4d: {  	s19 =	sadd.s32 @!p1 s19, s20;
	s20 =	sor.u32 @!p1 $0x80, s22;
	s22 =	simm.s32 @!p1 $0x5400  }
0x4e: {  	[tilespmem:s21], [sflag:$0x1] =	stream.strided.gather @!p1 [hbm4b:s19+s20], $0x4000, s22, s20, $0x38;
	[tilespmem:$0x10100] =	vst v63  }
0x4f: {  	p1 =	sge.u32 s31, s5  }
.Ltmp2:
0x50: {  	_ = 	snop;
	(pc) =	sbr.rel @p1 .LBB1_5-.Ltmp2, $1  }
0x51: {  	_ =	sdelay $0x3  }
0x52: {  	s19 =	simm.s32 $0x1  }
0x53: {  	_ =	swait.ge [sflag:s4], $0x4000;
	s19 =	simm.s32 @!p0 $0x0  }
0x54: {  	[sflag:s4] =	ssyncset.done $0x0;
	s20 =	sshll.u32 s19, $0xE  }
0x55: {  	[sflag:s4] =	ssyncadd.s32 $0xFFFFC000;
	s20 =	sor.u32 $0x40, s20  }
0x56: {  	s19 =	smul.u32 $0x10200, s19;
	v0 =	vld [tilespmem:s20+$0x30]  }
0x57: {  	v1 =	vld [tilespmem:s20+$0xFFFFFFD0]  }
0x58: {  	s19 =	sshrl.u32 s19, $0x2;
	v5 =	vld [tilespmem:s20+$0xFFFFFFE0]  }
0x59: {  	v6 =	vld [tilespmem:s20+$0xFFFFFFF0];
	s22 =	sor.u32 $0x8000, s19  }
0x5a: {  	s31 =	sand.u32 $0x1, s15;
	v4 =	vld [tilespmem:s20+$0x0];
	s21 =	sadd.s32 $0x0, s22  }
0x5b: {  	v3 =	vld [tilespmem:s20+$0x10];
	s19 =	smul.u32 $0x10200, s31;
	[tilespmem:s21+$0x3870 ss:$0x81] =	vst.msk $0xffff, v0  }
0x5c: {  	v2 =	vld [tilespmem:s20+$0x20];
	[tilespmem:s21+$0x810 ss:$0x81] =	vst.msk $0xffff, v1  }
0x5d: {  	s19 =	sshrl.u32 s19, $0x2;
	v1 =	vld [tilespmem:s20+$0xFFFFFFC0];
	[tilespmem:s21+$0x1020 ss:$0x81] =	vst.msk $0xffff, v5;
	s20 =	sadd.s32 $0x80, s20  }
0x5e: {  	s23 =	simm.s32 $0x4;
	s24 =	simm.s32 $0x8;
	s19 =	sor.u32 $0x8000, s19;
	[tilespmem:s21+$0x1830 ss:$0x81] =	vst.msk $0xffff, v6;
	v0 =	vld [tilespmem:s20+$0x30]  }
.LBB1_3:
0x5f: {  	p1 =	sne.s32 s24, $0x1FC;
	v5 =	vld [tilespmem:s20+$0xFFFFFFD0];
	[tilespmem:s21+$0x2040 ss:$0x81] =	vst.msk $0xffff, v4  }
0x60: {  	v6 =	vld [tilespmem:s20+$0xFFFFFFE0];
	[tilespmem:s21+$0x2850 ss:$0x81] =	vst.msk $0xffff, v3  }
0x61: {  	s25 =	sshra.s32 s23, $0x2;
	s23 =	smov.u32 s24;
	v7 =	vld [tilespmem:s20+$0xFFFFFFF0];
	[tilespmem:s21+$0x3060 ss:$0x81] =	vst.msk $0xffff, v2  }
.Ltmp3:
0x62: {  	v4 =	vld [tilespmem:s20+$0x0];
	[tilespmem:s21+$0x0 ss:$0x81] =	vst.msk $0xffff, v1;
	s21 =	sadd.s32 s25, s22;
	(pc) =	sbr.rel @p1 .LBB1_3-.Ltmp3, $4  }
0x63: {  	v3 =	vld [tilespmem:s20+$0x10];
	[tilespmem:s21+$0x3870 ss:$0x81] =	vst.msk $0xffff, v0  }
0x64: {  	[tilespmem:s21+$0x810 ss:$0x81] =	vst.msk $0xffff, v5;
	v2 =	vld [tilespmem:s20+$0x20]  }
0x65: {  	v1 =	vld [tilespmem:s20+$0xFFFFFFC0];
	[tilespmem:s21+$0x1020 ss:$0x81] =	vst.msk $0xffff, v6;
	s20 =	sadd.s32 $0x80, s20  }
0x66: {  	s24 =	sadd.s32 $0x4, s24;
	v0 =	vld [tilespmem:s20+$0x30];
	[tilespmem:s21+$0x1830 ss:$0x81] =	vst.msk $0xffff, v7  }
.Ltmp4:
0x67: {  	_ = 	snop;
	(pc) =	sbr.rel .LBB1_4-.Ltmp4, $1  }
0x68: {  	_ =	sdelay $0x3  }
.LBB1_6:
0x69: {  	_ =	sfence.sel $0x180000  }
0x6a: {  	s2 =	simm.s32 $0x1;
	[bflag:$0x0] =	sbarrier.arrive $0xFFFF  }
0x6b: {  	s31 =	simm.s32 $0x2;
	[sflag:s2] =	ssyncpa.u1 $0x1  }
0x6c: {  	[sflag:s31] =	ssyncpa.u1 $0x1  }
0x6d: {  	p0 =	sne.s32 s0, $0x0;
	_ =	strace $0x9000004A  }
0x6e: {  	s0 =	sadd.s32 @!p0 $0x100000, s1;
	[bflag:$0x2] =	sbarrier.arrive $0xFFFF  }
0x6f: {  	[sflag:s0] =	ssyncadd.tile.s32 @!p0 $0x1;
	_ =	shalt  }
.Lfunc_end1:
_tile_overlayer_lowered:
.L_overlay_start_2:
0x70: {  	(tag) =	ssettag $0x2  }
0x71: {  	s0 =	rddreg [dreg:$0x0];
	s2 =	stileid.u32  }
0x72: {  	s1 =	rddreg [dreg:$0x1];
	p0 =	sne.s32 s2, $0x0  }
0x73: {  	s3 =	rddreg [dreg:$0x2];
	[bflag:$0x3] =	sbarrier.arrive $0xFFFF;
	s2 =	simm.s32 @!p0 $0x1C01  }
0x74: {  	[timem:s3], [sflag:s2] =	dma.local @!p0 [hbm:s0], s1  }
0x75: {  	s0 =	simm.s32 @!p0 $0x1  }
0x76: {  	_ =	swait.ge @!p0 [sflag:s0], s1  }
0x77: {  	s1 =	ssub.s32 @!p0 $0x0, s1;
	[sflag:s0] =	ssyncset.done @!p0 $0x0  }
0x78: {  	[sflag:s0] =	ssyncadd.s32 @!p0 s1  }
0x79: {  	[bflag:$0x3] =	sbarrier.arrive $0xFFFF  }
0x7a: {  	_ =	shalt  }

</sc_bundles>
